<compile_context>
chip_gen: v7x
topology: tpu7x:2x2x1
jax: 0.10.2.dev20260603
libtpu: 0.0.44.dev20260713+nightly
codegen_flags: <defaults>
</compile_context>

<pallas_src>
import jax
import jax.numpy as jnp
from jax import lax
from jax.experimental import pallas as pl
from jax.experimental.pallas import tpu as pltpu
from jax.experimental.pallas import tpu_sc as plsc

_D = 64
_B = 16384

_info = plsc.get_sparse_core_info()
_NC, _NS = _info.num_cores, _info.num_subcores
_NW = _NC * _NS
_BPW = _B // _NW


def _gather_body(idx_hbm, table_hbm, out_hbm, idx_v, rows_v):
    wid = lax.axis_index("s") * _NC + lax.axis_index("c")
    base = wid * _BPW
    pltpu.sync_copy(idx_hbm.at[pl.ds(base, _BPW)], idx_v)

    def body(g, carry):
        vec = idx_v[pl.ds(g * 16, 16)]
        for k in range(16):
            r = vec[k]
            pltpu.sync_copy(
                table_hbm.at[pl.ds(r, 1)], rows_v.at[pl.ds(g * 16 + k, 1)]
            )
        return carry

    lax.fori_loop(0, _BPW // 16, body, 0)

    pltpu.sync_copy(rows_v, out_hbm.at[pl.ds(base, _BPW)])


@jax.jit
def kernel(elements, entity_embeddings):
    idx = elements.astype(jnp.int32)
    mesh = plsc.VectorSubcoreMesh(core_axis_name="c", subcore_axis_name="s")
    f = pl.kernel(
        _gather_body,
        mesh=mesh,
        out_type=jax.ShapeDtypeStruct((_B, _D), jnp.float32),
        scratch_types=[
            pltpu.VMEM((_BPW,), jnp.int32),
            pltpu.VMEM((_BPW, _D), jnp.float32),
        ],
    )
    return f(idx, entity_embeddings)

# --- scband reference (transcript-rebuilt; emitter-appended) ---
"""Pipeline reference for scband-base-owamodule-76802605187131 (READ-ONLY COPY).

The authoritative reference and input builder live on the scoring server;
editing this copy changes nothing except your own understanding.
"""

import jax, jax.numpy as jnp
import numpy as np

NUM_ENTITIES = 1000000
EMBEDDING_DIM = 64
BATCH = 16384

def setup_inputs(seed: int = 0) -> dict:
    key = jax.random.key(seed)
    k_idx, k_tab = jax.random.split(key)
    elements = jax.random.randint(k_idx, (BATCH,), 0, NUM_ENTITIES, dtype=jnp.int64 if jax.config.jax_enable_x64 else jnp.int32)
    entity_embeddings = jax.random.normal(k_tab, (NUM_ENTITIES, EMBEDDING_DIM), dtype=jnp.float32)
    return {"elements": elements, "entity_embeddings": entity_embeddings}

def reference(elements, entity_embeddings):
    # Faithful translation of BaseOWAModule._get_embeddings:
    # embedding_module(elements).view(-1, embedding_dim)
    emb = jnp.take(entity_embeddings, elements, axis=0)
    return emb.reshape(-1, EMBEDDING_DIM)

if __name__ == "__main__":
    import jax
    _d = setup_inputs()
    print(jax.jit(kernel)(*tuple(_d.values())))

</pallas_src>

<mosaic_0001>
#map = affine_map<(d0, d1) -> (0)>
#map1 = affine_map<(d0, d1) -> (0, 0)>
module attributes {stable_mosaic.version = 14 : i64} {
  func.func @_gather_body(%arg0: i32, %arg1: i32, %arg2: memref<16384xi32, #tpu.memory_space<hbm>>, %arg3: memref<1000000x64xf32, #tpu.memory_space<hbm>>, %arg4: memref<16384x64xf32, #tpu.memory_space<hbm>>, %arg5: memref<512xi32, #tpu.memory_space<vmem>>, %arg6: memref<512x64xf32, #tpu.memory_space<vmem>>) attributes {dimension_semantics = [#tpu.dimension_semantics<core_parallel>, #tpu.dimension_semantics<subcore_parallel>], iteration_bounds = array<i64: 2, 16>, scalar_prefetch = 0 : i64, scratch_operands = 2 : i64, tpu.core_type = #tpu.core_type<sc_vector_subcore>, window_params = [{transform_indices = #map}, {transform_indices = #map1}, {transform_indices = #map1}]} {
    %mul3A = arith.constant 2 : i32
    %mul3A_0 = arith.muli %arg1, %mul3A : i32
    %add3A = arith.addi %mul3A_0, %arg0 : i32
    %mul3A_1 = arith.constant 512 : i32
    %mul3A_2 = arith.muli %add3A, %mul3A_1 : i32
    "tpu.region"() ({
      %run_scoped3A = tpu.sem_alloc : memref<!tpu.dma_semaphore, #tpu.memory_space<semaphore_mem>>
      %dma_start3A = tpu.memref_slice %arg2[%mul3A_2] : memref<16384xi32, #tpu.memory_space<hbm>> -> memref<512xi32, #tpu.memory_space<hbm>>
      %dma_start3A_8 = tpu.memref_slice %arg2[%mul3A_2] : memref<16384xi32, #tpu.memory_space<hbm>> -> memref<512xi32, #tpu.memory_space<hbm>>
      tpu.enqueue_dma source(%dma_start3A_8 : memref<512xi32, #tpu.memory_space<hbm>>) target(%arg5 : memref<512xi32, #tpu.memory_space<vmem>>) target_semaphore(%run_scoped3A : memref<!tpu.dma_semaphore, #tpu.memory_space<semaphore_mem>>)
      %dma_wait3A = tpu.memref_slice %arg2[%mul3A_2] : memref<16384xi32, #tpu.memory_space<hbm>> -> memref<512xi32, #tpu.memory_space<hbm>>
      %dma_wait3A_9 = tpu.memref_slice %arg2[%mul3A_2] : memref<16384xi32, #tpu.memory_space<hbm>> -> memref<512xi32, #tpu.memory_space<hbm>>
      tpu.wait_dma2 semaphore(%run_scoped3A : memref<!tpu.dma_semaphore, #tpu.memory_space<semaphore_mem>>) src(%dma_wait3A_9 : memref<512xi32, #tpu.memory_space<hbm>>) dst(%arg5 : memref<512xi32, #tpu.memory_space<vmem>>)
      tpu.yield
    }) : () -> ()
    %scan3A = arith.constant 0 : i32
    %scan3A_3 = arith.constant 0 : i32
    %scan3A_4 = arith.constant 32 : i32
    %scan3A_5 = arith.addi %scan3A_3, %scan3A_4 : i32
    %scan3A_6 = arith.constant 1 : i32
    scf.for %scan3A_8 = %scan3A_3 to %scan3A_5 step %scan3A_6  : i32 {
      %mul3A_9 = arith.constant 16 : i32
      %mul3A_10 = arith.muli %scan3A_8, %mul3A_9 : i32
      %get3A = arith.index_cast %mul3A_10 : i32 to index
      %get3A_11 = tpu.vector_load %arg5[%get3A] {strides = array<i32>} : memref<512xi32, #tpu.memory_space<vmem>>, vector<16xi32>,
      %get3A_12 = vector.shape_cast %get3A_11 : vector<16xi32> to vector<16xi32>
      %slice3A = vector.extract_strided_slice %get3A_12 {offsets = [0], sizes = [1], strides = [1]} : vector<16xi32> to vector<1xi32>
      %squeeze3A = vector.extract %slice3A[0] : i32 from vector<1xi32>
      %mul3A_13 = arith.constant 16 : i32
      %mul3A_14 = arith.muli %scan3A_8, %mul3A_13 : i32
      %add3A_15 = arith.constant 0 : i32
      %add3A_16 = arith.addi %mul3A_14, %add3A_15 : i32
      "tpu.region"() ({
        %run_scoped3A = tpu.sem_alloc : memref<!tpu.dma_semaphore, #tpu.memory_space<semaphore_mem>>
        %dma_start3A = arith.constant 0 : i32
        %dma_start3A_107 = tpu.memref_slice %arg6[%add3A_16, %dma_start3A] : memref<512x64xf32, #tpu.memory_space<vmem>> -> memref<1x64xf32, #tpu.memory_space<vmem>>
        %dma_start3A_108 = arith.constant 0 : i32
        %dma_start3A_109 = tpu.memref_slice %arg3[%squeeze3A, %dma_start3A_108] : memref<1000000x64xf32, #tpu.memory_space<hbm>> -> memref<1x64xf32, #tpu.memory_space<hbm>>
        %dma_start3A_110 = arith.constant 0 : i32
        %dma_start3A_111 = tpu.memref_slice %arg6[%add3A_16, %dma_start3A_110] : memref<512x64xf32, #tpu.memory_space<vmem>> -> memref<1x64xf32, #tpu.memory_space<vmem>>
        %dma_start3A_112 = arith.constant 0 : i32
        %dma_start3A_113 = tpu.memref_slice %arg3[%squeeze3A, %dma_start3A_112] : memref<1000000x64xf32, #tpu.memory_space<hbm>> -> memref<1x64xf32, #tpu.memory_space<hbm>>
        tpu.enqueue_dma source(%dma_start3A_113 : memref<1x64xf32, #tpu.memory_space<hbm>>) target(%dma_start3A_111 : memref<1x64xf32, #tpu.memory_space<vmem>>) target_semaphore(%run_scoped3A : memref<!tpu.dma_semaphore, #tpu.memory_space<semaphore_mem>>)
        %dma_wait3A = arith.constant 0 : i32
        %dma_wait3A_114 = tpu.memref_slice %arg6[%add3A_16, %dma_wait3A] : memref<512x64xf32, #tpu.memory_space<vmem>> -> memref<1x64xf32, #tpu.memory_space<vmem>>
        %dma_wait3A_115 = arith.constant 0 : i32
        %dma_wait3A_116 = tpu.memref_slice %arg3[%squeeze3A, %dma_wait3A_115] : memref<1000000x64xf32, #tpu.memory_space<hbm>> -> memref<1x64xf32, #tpu.memory_space<hbm>>
        %dma_wait3A_117 = arith.constant 0 : i32
        %dma_wait3A_118 = tpu.memref_slice %arg6[%add3A_16, %dma_wait3A_117] : memref<512x64xf32, #tpu.memory_space<vmem>> -> memref<1x64xf32, #tpu.memory_space<vmem>>
        %dma_wait3A_119 = arith.constant 0 : i32
        %dma_wait3A_120 = tpu.memref_slice %arg3[%squeeze3A, %dma_wait3A_119] : memref<1000000x64xf32, #tpu.memory_space<hbm>> -> memref<1x64xf32, #tpu.memory_space<hbm>>
        tpu.wait_dma2 semaphore(%run_scoped3A : memref<!tpu.dma_semaphore, #tpu.memory_space<semaphore_mem>>) src(%dma_wait3A_120 : memref<1x64xf32, #tpu.memory_space<hbm>>) dst(%dma_wait3A_118 : memref<1x64xf32, #tpu.memory_space<vmem>>)
        tpu.yield
      }) : () -> ()
      %slice3A_17 = vector.extract_strided_slice %get3A_12 {offsets = [1], sizes = [1], strides = [1]} : vector<16xi32> to vector<1xi32>
      %squeeze3A_18 = vector.extract %slice3A_17[0] : i32 from vector<1xi32>
      %mul3A_19 = arith.constant 16 : i32
      %mul3A_20 = arith.muli %scan3A_8, %mul3A_19 : i32
      %add3A_21 = arith.constant 1 : i32
      %add3A_22 = arith.addi %mul3A_20, %add3A_21 : i32
      "tpu.region"() ({
        %run_scoped3A = tpu.sem_alloc : memref<!tpu.dma_semaphore, #tpu.memory_space<semaphore_mem>>
        %dma_start3A = arith.constant 0 : i32
        %dma_start3A_107 = tpu.memref_slice %arg6[%add3A_22, %dma_start3A] : memref<512x64xf32, #tpu.memory_space<vmem>> -> memref<1x64xf32, #tpu.memory_space<vmem>>
        %dma_start3A_108 = arith.constant 0 : i32
        %dma_start3A_109 = tpu.memref_slice %arg3[%squeeze3A_18, %dma_start3A_108] : memref<1000000x64xf32, #tpu.memory_space<hbm>> -> memref<1x64xf32, #tpu.memory_space<hbm>>
        %dma_start3A_110 = arith.constant 0 : i32
        %dma_start3A_111 = tpu.memref_slice %arg6[%add3A_22, %dma_start3A_110] : memref<512x64xf32, #tpu.memory_space<vmem>> -> memref<1x64xf32, #tpu.memory_space<vmem>>
        %dma_start3A_112 = arith.constant 0 : i32
        %dma_start3A_113 = tpu.memref_slice %arg3[%squeeze3A_18, %dma_start3A_112] : memref<1000000x64xf32, #tpu.memory_space<hbm>> -> memref<1x64xf32, #tpu.memory_space<hbm>>
        tpu.enqueue_dma source(%dma_start3A_113 : memref<1x64xf32, #tpu.memory_space<hbm>>) target(%dma_start3A_111 : memref<1x64xf32, #tpu.memory_space<vmem>>) target_semaphore(%run_scoped3A : memref<!tpu.dma_semaphore, #tpu.memory_space<semaphore_mem>>)
        %dma_wait3A = arith.constant 0 : i32
        %dma_wait3A_114 = tpu.memref_slice %arg6[%add3A_22, %dma_wait3A] : memref<512x64xf32, #tpu.memory_space<vmem>> -> memref<1x64xf32, #tpu.memory_space<vmem>>
        %dma_wait3A_115 = arith.constant 0 : i32
        %dma_wait3A_116 = tpu.memref_slice %arg3[%squeeze3A_18, %dma_wait3A_115] : memref<1000000x64xf32, #tpu.memory_space<hbm>> -> memref<1x64xf32, #tpu.memory_space<hbm>>
        %dma_wait3A_117 = arith.constant 0 : i32
        %dma_wait3A_118 = tpu.memref_slice %arg6[%add3A_22, %dma_wait3A_117] : memref<512x64xf32, #tpu.memory_space<vmem>> -> memref<1x64xf32, #tpu.memory_space<vmem>>
        %dma_wait3A_119 = arith.constant 0 : i32
        %dma_wait3A_120 = tpu.memref_slice %arg3[%squeeze3A_18, %dma_wait3A_119] : memref<1000000x64xf32, #tpu.memory_space<hbm>> -> memref<1x64xf32, #tpu.memory_space<hbm>>
        tpu.wait_dma2 semaphore(%run_scoped3A : memref<!tpu.dma_semaphore, #tpu.memory_space<semaphore_mem>>) src(%dma_wait3A_120 : memref<1x64xf32, #tpu.memory_space<hbm>>) dst(%dma_wait3A_118 : memref<1x64xf32, #tpu.memory_space<vmem>>)
        tpu.yield
      }) : () -> ()
      %slice3A_23 = vector.extract_strided_slice %get3A_12 {offsets = [2], sizes = [1], strides = [1]} : vector<16xi32> to vector<1xi32>
      %squeeze3A_24 = vector.extract %slice3A_23[0] : i32 from vector<1xi32>
      %mul3A_25 = arith.constant 16 : i32
      %mul3A_26 = arith.muli %scan3A_8, %mul3A_25 : i32
      %add3A_27 = arith.constant 2 : i32
      %add3A_28 = arith.addi %mul3A_26, %add3A_27 : i32
      "tpu.region"() ({
        %run_scoped3A = tpu.sem_alloc : memref<!tpu.dma_semaphore, #tpu.memory_space<semaphore_mem>>
        %dma_start3A = arith.constant 0 : i32
        %dma_start3A_107 = tpu.memref_slice %arg6[%add3A_28, %dma_start3A] : memref<512x64xf32, #tpu.memory_space<vmem>> -> memref<1x64xf32, #tpu.memory_space<vmem>>
        %dma_start3A_108 = arith.constant 0 : i32
        %dma_start3A_109 = tpu.memref_slice %arg3[%squeeze3A_24, %dma_start3A_108] : memref<1000000x64xf32, #tpu.memory_space<hbm>> -> memref<1x64xf32, #tpu.memory_space<hbm>>
        %dma_start3A_110 = arith.constant 0 : i32
        %dma_start3A_111 = tpu.memref_slice %arg6[%add3A_28, %dma_start3A_110] : memref<512x64xf32, #tpu.memory_space<vmem>> -> memref<1x64xf32, #tpu.memory_space<vmem>>
        %dma_start3A_112 = arith.constant 0 : i32
        %dma_start3A_113 = tpu.memref_slice %arg3[%squeeze3A_24, %dma_start3A_112] : memref<1000000x64xf32, #tpu.memory_space<hbm>> -> memref<1x64xf32, #tpu.memory_space<hbm>>
        tpu.enqueue_dma source(%dma_start3A_113 : memref<1x64xf32, #tpu.memory_space<hbm>>) target(%dma_start3A_111 : memref<1x64xf32, #tpu.memory_space<vmem>>) target_semaphore(%run_scoped3A : memref<!tpu.dma_semaphore, #tpu.memory_space<semaphore_mem>>)
        %dma_wait3A = arith.constant 0 : i32
        %dma_wait3A_114 = tpu.memref_slice %arg6[%add3A_28, %dma_wait3A] : memref<512x64xf32, #tpu.memory_space<vmem>> -> memref<1x64xf32, #tpu.memory_space<vmem>>
        %dma_wait3A_115 = arith.constant 0 : i32
        %dma_wait3A_116 = tpu.memref_slice %arg3[%squeeze3A_24, %dma_wait3A_115] : memref<1000000x64xf32, #tpu.memory_space<hbm>> -> memref<1x64xf32, #tpu.memory_space<hbm>>
        %dma_wait3A_117 = arith.constant 0 : i32
        %dma_wait3A_118 = tpu.memref_slice %arg6[%add3A_28, %dma_wait3A_117] : memref<512x64xf32, #tpu.memory_space<vmem>> -> memref<1x64xf32, #tpu.memory_space<vmem>>
        %dma_wait3A_119 = arith.constant 0 : i32
        %dma_wait3A_120 = tpu.memref_slice %arg3[%squeeze3A_24, %dma_wait3A_119] : memref<1000000x64xf32, #tpu.memory_space<hbm>> -> memref<1x64xf32, #tpu.memory_space<hbm>>
        tpu.wait_dma2 semaphore(%run_scoped3A : memref<!tpu.dma_semaphore, #tpu.memory_space<semaphore_mem>>) src(%dma_wait3A_120 : memref<1x64xf32, #tpu.memory_space<hbm>>) dst(%dma_wait3A_118 : memref<1x64xf32, #tpu.memory_space<vmem>>)
        tpu.yield
      }) : () -> ()
      %slice3A_29 = vector.extract_strided_slice %get3A_12 {offsets = [3], sizes = [1], strides = [1]} : vector<16xi32> to vector<1xi32>
      %squeeze3A_30 = vector.extract %slice3A_29[0] : i32 from vector<1xi32>
      %mul3A_31 = arith.constant 16 : i32
      %mul3A_32 = arith.muli %scan3A_8, %mul3A_31 : i32
      %add3A_33 = arith.constant 3 : i32
      %add3A_34 = arith.addi %mul3A_32, %add3A_33 : i32
      "tpu.region"() ({
        %run_scoped3A = tpu.sem_alloc : memref<!tpu.dma_semaphore, #tpu.memory_space<semaphore_mem>>
        %dma_start3A = arith.constant 0 : i32
        %dma_start3A_107 = tpu.memref_slice %arg6[%add3A_34, %dma_start3A] : memref<512x64xf32, #tpu.memory_space<vmem>> -> memref<1x64xf32, #tpu.memory_space<vmem>>
        %dma_start3A_108 = arith.constant 0 : i32
        %dma_start3A_109 = tpu.memref_slice %arg3[%squeeze3A_30, %dma_start3A_108] : memref<1000000x64xf32, #tpu.memory_space<hbm>> -> memref<1x64xf32, #tpu.memory_space<hbm>>
        %dma_start3A_110 = arith.constant 0 : i32
        %dma_start3A_111 = tpu.memref_slice %arg6[%add3A_34, %dma_start3A_110] : memref<512x64xf32, #tpu.memory_space<vmem>> -> memref<1x64xf32, #tpu.memory_space<vmem>>
        %dma_start3A_112 = arith.constant 0 : i32
        %dma_start3A_113 = tpu.memref_slice %arg3[%squeeze3A_30, %dma_start3A_112] : memref<1000000x64xf32, #tpu.memory_space<hbm>> -> memref<1x64xf32, #tpu.memory_space<hbm>>
        tpu.enqueue_dma source(%dma_start3A_113 : memref<1x64xf32, #tpu.memory_space<hbm>>) target(%dma_start3A_111 : memref<1x64xf32, #tpu.memory_space<vmem>>) target_semaphore(%run_scoped3A : memref<!tpu.dma_semaphore, #tpu.memory_space<semaphore_mem>>)
        %dma_wait3A = arith.constant 0 : i32
        %dma_wait3A_114 = tpu.memref_slice %arg6[%add3A_34, %dma_wait3A] : memref<512x64xf32, #tpu.memory_space<vmem>> -> memref<1x64xf32, #tpu.memory_space<vmem>>
        %dma_wait3A_115 = arith.constant 0 : i32
        %dma_wait3A_116 = tpu.memref_slice %arg3[%squeeze3A_30, %dma_wait3A_115] : memref<1000000x64xf32, #tpu.memory_space<hbm>> -> memref<1x64xf32, #tpu.memory_space<hbm>>
        %dma_wait3A_117 = arith.constant 0 : i32
        %dma_wait3A_118 = tpu.memref_slice %arg6[%add3A_34, %dma_wait3A_117] : memref<512x64xf32, #tpu.memory_space<vmem>> -> memref<1x64xf32, #tpu.memory_space<vmem>>
        %dma_wait3A_119 = arith.constant 0 : i32
        %dma_wait3A_120 = tpu.memref_slice %arg3[%squeeze3A_30, %dma_wait3A_119] : memref<1000000x64xf32, #tpu.memory_space<hbm>> -> memref<1x64xf32, #tpu.memory_space<hbm>>
        tpu.wait_dma2 semaphore(%run_scoped3A : memref<!tpu.dma_semaphore, #tpu.memory_space<semaphore_mem>>) src(%dma_wait3A_120 : memref<1x64xf32, #tpu.memory_space<hbm>>) dst(%dma_wait3A_118 : memref<1x64xf32, #tpu.memory_space<vmem>>)
        tpu.yield
      }) : () -> ()
      %slice3A_35 = vector.extract_strided_slice %get3A_12 {offsets = [4], sizes = [1], strides = [1]} : vector<16xi32> to vector<1xi32>
      %squeeze3A_36 = vector.extract %slice3A_35[0] : i32 from vector<1xi32>
      %mul3A_37 = arith.constant 16 : i32
      %mul3A_38 = arith.muli %scan3A_8, %mul3A_37 : i32
      %add3A_39 = arith.constant 4 : i32
      %add3A_40 = arith.addi %mul3A_38, %add3A_39 : i32
      "tpu.region"() ({
        %run_scoped3A = tpu.sem_alloc : memref<!tpu.dma_semaphore, #tpu.memory_space<semaphore_mem>>
        %dma_start3A = arith.constant 0 : i32
        %dma_start3A_107 = tpu.memref_slice %arg6[%add3A_40, %dma_start3A] : memref<512x64xf32, #tpu.memory_space<vmem>> -> memref<1x64xf32, #tpu.memory_space<vmem>>
        %dma_start3A_108 = arith.constant 0 : i32
        %dma_start3A_109 = tpu.memref_slice %arg3[%squeeze3A_36, %dma_start3A_108] : memref<1000000x64xf32, #tpu.memory_space<hbm>> -> memref<1x64xf32, #tpu.memory_space<hbm>>
        %dma_start3A_110 = arith.constant 0 : i32
        %dma_start3A_111 = tpu.memref_slice %arg6[%add3A_40, %dma_start3A_110] : memref<512x64xf32, #tpu.memory_space<vmem>> -> memref<1x64xf32, #tpu.memory_space<vmem>>
        %dma_start3A_112 = arith.constant 0 : i32
        %dma_start3A_113 = tpu.memref_slice %arg3[%squeeze3A_36, %dma_start3A_112] : memref<1000000x64xf32, #tpu.memory_space<hbm>> -> memref<1x64xf32, #tpu.memory_space<hbm>>
        tpu.enqueue_dma source(%dma_start3A_113 : memref<1x64xf32, #tpu.memory_space<hbm>>) target(%dma_start3A_111 : memref<1x64xf32, #tpu.memory_space<vmem>>) target_semaphore(%run_scoped3A : memref<!tpu.dma_semaphore, #tpu.memory_space<semaphore_mem>>)
        %dma_wait3A = arith.constant 0 : i32
        %dma_wait3A_114 = tpu.memref_slice %arg6[%add3A_40, %dma_wait3A] : memref<512x64xf32, #tpu.memory_space<vmem>> -> memref<1x64xf32, #tpu.memory_space<vmem>>
        %dma_wait3A_115 = arith.constant 0 : i32
        %dma_wait3A_116 = tpu.memref_slice %arg3[%squeeze3A_36, %dma_wait3A_115] : memref<1000000x64xf32, #tpu.memory_space<hbm>> -> memref<1x64xf32, #tpu.memory_space<hbm>>
        %dma_wait3A_117 = arith.constant 0 : i32
        %dma_wait3A_118 = tpu.memref_slice %arg6[%add3A_40, %dma_wait3A_117] : memref<512x64xf32, #tpu.memory_space<vmem>> -> memref<1x64xf32, #tpu.memory_space<vmem>>
        %dma_wait3A_119 = arith.constant 0 : i32
        %dma_wait3A_120 = tpu.memref_slice %arg3[%squeeze3A_36, %dma_wait3A_119] : memref<1000000x64xf32, #tpu.memory_space<hbm>> -> memref<1x64xf32, #tpu.memory_space<hbm>>
        tpu.wait_dma2 semaphore(%run_scoped3A : memref<!tpu.dma_semaphore, #tpu.memory_space<semaphore_mem>>) src(%dma_wait3A_120 : memref<1x64xf32, #tpu.memory_space<hbm>>) dst(%dma_wait3A_118 : memref<1x64xf32, #tpu.memory_space<vmem>>)
        tpu.yield
      }) : () -> ()
      %slice3A_41 = vector.extract_strided_slice %get3A_12 {offsets = [5], sizes = [1], strides = [1]} : vector<16xi32> to vector<1xi32>
      %squeeze3A_42 = vector.extract %slice3A_41[0] : i32 from vector<1xi32>
      %mul3A_43 = arith.constant 16 : i32
      %mul3A_44 = arith.muli %scan3A_8, %mul3A_43 : i32
      %add3A_45 = arith.constant 5 : i32
      %add3A_46 = arith.addi %mul3A_44, %add3A_45 : i32
      "tpu.region"() ({
        %run_scoped3A = tpu.sem_alloc : memref<!tpu.dma_semaphore, #tpu.memory_space<semaphore_mem>>
        %dma_start3A = arith.constant 0 : i32
        %dma_start3A_107 = tpu.memref_slice %arg6[%add3A_46, %dma_start3A] : memref<512x64xf32, #tpu.memory_space<vmem>> -> memref<1x64xf32, #tpu.memory_space<vmem>>
        %dma_start3A_108 = arith.constant 0 : i32
        %dma_start3A_109 = tpu.memref_slice %arg3[%squeeze3A_42, %dma_start3A_108] : memref<1000000x64xf32, #tpu.memory_space<hbm>> -> memref<1x64xf32, #tpu.memory_space<hbm>>
        %dma_start3A_110 = arith.constant 0 : i32
        %dma_start3A_111 = tpu.memref_slice %arg6[%add3A_46, %dma_start3A_110] : memref<512x64xf32, #tpu.memory_space<vmem>> -> memref<1x64xf32, #tpu.memory_space<vmem>>
        %dma_start3A_112 = arith.constant 0 : i32
        %dma_start3A_113 = tpu.memref_slice %arg3[%squeeze3A_42, %dma_start3A_112] : memref<1000000x64xf32, #tpu.memory_space<hbm>> -> memref<1x64xf32, #tpu.memory_space<hbm>>
        tpu.enqueue_dma source(%dma_start3A_113 : memref<1x64xf32, #tpu.memory_space<hbm>>) target(%dma_start3A_111 : memref<1x64xf32, #tpu.memory_space<vmem>>) target_semaphore(%run_scoped3A : memref<!tpu.dma_semaphore, #tpu.memory_space<semaphore_mem>>)
        %dma_wait3A = arith.constant 0 : i32
        %dma_wait3A_114 = tpu.memref_slice %arg6[%add3A_46, %dma_wait3A] : memref<512x64xf32, #tpu.memory_space<vmem>> -> memref<1x64xf32, #tpu.memory_space<vmem>>
        %dma_wait3A_115 = arith.constant 0 : i32
        %dma_wait3A_116 = tpu.memref_slice %arg3[%squeeze3A_42, %dma_wait3A_115] : memref<1000000x64xf32, #tpu.memory_space<hbm>> -> memref<1x64xf32, #tpu.memory_space<hbm>>
        %dma_wait3A_117 = arith.constant 0 : i32
        %dma_wait3A_118 = tpu.memref_slice %arg6[%add3A_46, %dma_wait3A_117] : memref<512x64xf32, #tpu.memory_space<vmem>> -> memref<1x64xf32, #tpu.memory_space<vmem>>
        %dma_wait3A_119 = arith.constant 0 : i32
        %dma_wait3A_120 = tpu.memref_slice %arg3[%squeeze3A_42, %dma_wait3A_119] : memref<1000000x64xf32, #tpu.memory_space<hbm>> -> memref<1x64xf32, #tpu.memory_space<hbm>>
        tpu.wait_dma2 semaphore(%run_scoped3A : memref<!tpu.dma_semaphore, #tpu.memory_space<semaphore_mem>>) src(%dma_wait3A_120 : memref<1x64xf32, #tpu.memory_space<hbm>>) dst(%dma_wait3A_118 : memref<1x64xf32, #tpu.memory_space<vmem>>)
        tpu.yield
      }) : () -> ()
      %slice3A_47 = vector.extract_strided_slice %get3A_12 {offsets = [6], sizes = [1], strides = [1]} : vector<16xi32> to vector<1xi32>
      %squeeze3A_48 = vector.extract %slice3A_47[0] : i32 from vector<1xi32>
      %mul3A_49 = arith.constant 16 : i32
      %mul3A_50 = arith.muli %scan3A_8, %mul3A_49 : i32
      %add3A_51 = arith.constant 6 : i32
      %add3A_52 = arith.addi %mul3A_50, %add3A_51 : i32
      "tpu.region"() ({
        %run_scoped3A = tpu.sem_alloc : memref<!tpu.dma_semaphore, #tpu.memory_space<semaphore_mem>>
        %dma_start3A = arith.constant 0 : i32
        %dma_start3A_107 = tpu.memref_slice %arg6[%add3A_52, %dma_start3A] : memref<512x64xf32, #tpu.memory_space<vmem>> -> memref<1x64xf32, #tpu.memory_space<vmem>>
        %dma_start3A_108 = arith.constant 0 : i32
        %dma_start3A_109 = tpu.memref_slice %arg3[%squeeze3A_48, %dma_start3A_108] : memref<1000000x64xf32, #tpu.memory_space<hbm>> -> memref<1x64xf32, #tpu.memory_space<hbm>>
        %dma_start3A_110 = arith.constant 0 : i32
        %dma_start3A_111 = tpu.memref_slice %arg6[%add3A_52, %dma_start3A_110] : memref<512x64xf32, #tpu.memory_space<vmem>> -> memref<1x64xf32, #tpu.memory_space<vmem>>
        %dma_start3A_112 = arith.constant 0 : i32
        %dma_start3A_113 = tpu.memref_slice %arg3[%squeeze3A_48, %dma_start3A_112] : memref<1000000x64xf32, #tpu.memory_space<hbm>> -> memref<1x64xf32, #tpu.memory_space<hbm>>
        tpu.enqueue_dma source(%dma_start3A_113 : memref<1x64xf32, #tpu.memory_space<hbm>>) target(%dma_start3A_111 : memref<1x64xf32, #tpu.memory_space<vmem>>) target_semaphore(%run_scoped3A : memref<!tpu.dma_semaphore, #tpu.memory_space<semaphore_mem>>)
        %dma_wait3A = arith.constant 0 : i32
        %dma_wait3A_114 = tpu.memref_slice %arg6[%add3A_52, %dma_wait3A] : memref<512x64xf32, #tpu.memory_space<vmem>> -> memref<1x64xf32, #tpu.memory_space<vmem>>
        %dma_wait3A_115 = arith.constant 0 : i32
        %dma_wait3A_116 = tpu.memref_slice %arg3[%squeeze3A_48, %dma_wait3A_115] : memref<1000000x64xf32, #tpu.memory_space<hbm>> -> memref<1x64xf32, #tpu.memory_space<hbm>>
        %dma_wait3A_117 = arith.constant 0 : i32
        %dma_wait3A_118 = tpu.memref_slice %arg6[%add3A_52, %dma_wait3A_117] : memref<512x64xf32, #tpu.memory_space<vmem>> -> memref<1x64xf32, #tpu.memory_space<vmem>>
        %dma_wait3A_119 = arith.constant 0 : i32
        %dma_wait3A_120 = tpu.memref_slice %arg3[%squeeze3A_48, %dma_wait3A_119] : memref<1000000x64xf32, #tpu.memory_space<hbm>> -> memref<1x64xf32, #tpu.memory_space<hbm>>
        tpu.wait_dma2 semaphore(%run_scoped3A : memref<!tpu.dma_semaphore, #tpu.memory_space<semaphore_mem>>) src(%dma_wait3A_120 : memref<1x64xf32, #tpu.memory_space<hbm>>) dst(%dma_wait3A_118 : memref<1x64xf32, #tpu.memory_space<vmem>>)
        tpu.yield
      }) : () -> ()
      %slice3A_53 = vector.extract_strided_slice %get3A_12 {offsets = [7], sizes = [1], strides = [1]} : vector<16xi32> to vector<1xi32>
      %squeeze3A_54 = vector.extract %slice3A_53[0] : i32 from vector<1xi32>
      %mul3A_55 = arith.constant 16 : i32
      %mul3A_56 = arith.muli %scan3A_8, %mul3A_55 : i32
      %add3A_57 = arith.constant 7 : i32
      %add3A_58 = arith.addi %mul3A_56, %add3A_57 : i32
      "tpu.region"() ({
        %run_scoped3A = tpu.sem_alloc : memref<!tpu.dma_semaphore, #tpu.memory_space<semaphore_mem>>
        %dma_start3A = arith.constant 0 : i32
        %dma_start3A_107 = tpu.memref_slice %arg6[%add3A_58, %dma_start3A] : memref<512x64xf32, #tpu.memory_space<vmem>> -> memref<1x64xf32, #tpu.memory_space<vmem>>
        %dma_start3A_108 = arith.constant 0 : i32
        %dma_start3A_109 = tpu.memref_slice %arg3[%squeeze3A_54, %dma_start3A_108] : memref<1000000x64xf32, #tpu.memory_space<hbm>> -> memref<1x64xf32, #tpu.memory_space<hbm>>
        %dma_start3A_110 = arith.constant 0 : i32
        %dma_start3A_111 = tpu.memref_slice %arg6[%add3A_58, %dma_start3A_110] : memref<512x64xf32, #tpu.memory_space<vmem>> -> memref<1x64xf32, #tpu.memory_space<vmem>>
        %dma_start3A_112 = arith.constant 0 : i32
        %dma_start3A_113 = tpu.memref_slice %arg3[%squeeze3A_54, %dma_start3A_112] : memref<1000000x64xf32, #tpu.memory_space<hbm>> -> memref<1x64xf32, #tpu.memory_space<hbm>>
        tpu.enqueue_dma source(%dma_start3A_113 : memref<1x64xf32, #tpu.memory_space<hbm>>) target(%dma_start3A_111 : memref<1x64xf32, #tpu.memory_space<vmem>>) target_semaphore(%run_scoped3A : memref<!tpu.dma_semaphore, #tpu.memory_space<semaphore_mem>>)
        %dma_wait3A = arith.constant 0 : i32
        %dma_wait3A_114 = tpu.memref_slice %arg6[%add3A_58, %dma_wait3A] : memref<512x64xf32, #tpu.memory_space<vmem>> -> memref<1x64xf32, #tpu.memory_space<vmem>>
        %dma_wait3A_115 = arith.constant 0 : i32
        %dma_wait3A_116 = tpu.memref_slice %arg3[%squeeze3A_54, %dma_wait3A_115] : memref<1000000x64xf32, #tpu.memory_space<hbm>> -> memref<1x64xf32, #tpu.memory_space<hbm>>
        %dma_wait3A_117 = arith.constant 0 : i32
        %dma_wait3A_118 = tpu.memref_slice %arg6[%add3A_58, %dma_wait3A_117] : memref<512x64xf32, #tpu.memory_space<vmem>> -> memref<1x64xf32, #tpu.memory_space<vmem>>
        %dma_wait3A_119 = arith.constant 0 : i32
        %dma_wait3A_120 = tpu.memref_slice %arg3[%squeeze3A_54, %dma_wait3A_119] : memref<1000000x64xf32, #tpu.memory_space<hbm>> -> memref<1x64xf32, #tpu.memory_space<hbm>>
        tpu.wait_dma2 semaphore(%run_scoped3A : memref<!tpu.dma_semaphore, #tpu.memory_space<semaphore_mem>>) src(%dma_wait3A_120 : memref<1x64xf32, #tpu.memory_space<hbm>>) dst(%dma_wait3A_118 : memref<1x64xf32, #tpu.memory_space<vmem>>)
        tpu.yield
      }) : () -> ()
      %slice3A_59 = vector.extract_strided_slice %get3A_12 {offsets = [8], sizes = [1], strides = [1]} : vector<16xi32> to vector<1xi32>
      %squeeze3A_60 = vector.extract %slice3A_59[0] : i32 from vector<1xi32>
      %mul3A_61 = arith.constant 16 : i32
      %mul3A_62 = arith.muli %scan3A_8, %mul3A_61 : i32
      %add3A_63 = arith.constant 8 : i32
      %add3A_64 = arith.addi %mul3A_62, %add3A_63 : i32
      "tpu.region"() ({
        %run_scoped3A = tpu.sem_alloc : memref<!tpu.dma_semaphore, #tpu.memory_space<semaphore_mem>>
        %dma_start3A = arith.constant 0 : i32
        %dma_start3A_107 = tpu.memref_slice %arg6[%add3A_64, %dma_start3A] : memref<512x64xf32, #tpu.memory_space<vmem>> -> memref<1x64xf32, #tpu.memory_space<vmem>>
        %dma_start3A_108 = arith.constant 0 : i32
        %dma_start3A_109 = tpu.memref_slice %arg3[%squeeze3A_60, %dma_start3A_108] : memref<1000000x64xf32, #tpu.memory_space<hbm>> -> memref<1x64xf32, #tpu.memory_space<hbm>>
        %dma_start3A_110 = arith.constant 0 : i32
        %dma_start3A_111 = tpu.memref_slice %arg6[%add3A_64, %dma_start3A_110] : memref<512x64xf32, #tpu.memory_space<vmem>> -> memref<1x64xf32, #tpu.memory_space<vmem>>
        %dma_start3A_112 = arith.constant 0 : i32
        %dma_start3A_113 = tpu.memref_slice %arg3[%squeeze3A_60, %dma_start3A_112] : memref<1000000x64xf32, #tpu.memory_space<hbm>> -> memref<1x64xf32, #tpu.memory_space<hbm>>
        tpu.enqueue_dma source(%dma_start3A_113 : memref<1x64xf32, #tpu.memory_space<hbm>>) target(%dma_start3A_111 : memref<1x64xf32, #tpu.memory_space<vmem>>) target_semaphore(%run_scoped3A : memref<!tpu.dma_semaphore, #tpu.memory_space<semaphore_mem>>)
        %dma_wait3A = arith.constant 0 : i32
        %dma_wait3A_114 = tpu.memref_slice %arg6[%add3A_64, %dma_wait3A] : memref<512x64xf32, #tpu.memory_space<vmem>> -> memref<1x64xf32, #tpu.memory_space<vmem>>
        %dma_wait3A_115 = arith.constant 0 : i32
        %dma_wait3A_116 = tpu.memref_slice %arg3[%squeeze3A_60, %dma_wait3A_115] : memref<1000000x64xf32, #tpu.memory_space<hbm>> -> memref<1x64xf32, #tpu.memory_space<hbm>>
        %dma_wait3A_117 = arith.constant 0 : i32
        %dma_wait3A_118 = tpu.memref_slice %arg6[%add3A_64, %dma_wait3A_117] : memref<512x64xf32, #tpu.memory_space<vmem>> -> memref<1x64xf32, #tpu.memory_space<vmem>>
        %dma_wait3A_119 = arith.constant 0 : i32
        %dma_wait3A_120 = tpu.memref_slice %arg3[%squeeze3A_60, %dma_wait3A_119] : memref<1000000x64xf32, #tpu.memory_space<hbm>> -> memref<1x64xf32, #tpu.memory_space<hbm>>
        tpu.wait_dma2 semaphore(%run_scoped3A : memref<!tpu.dma_semaphore, #tpu.memory_space<semaphore_mem>>) src(%dma_wait3A_120 : memref<1x64xf32, #tpu.memory_space<hbm>>) dst(%dma_wait3A_118 : memref<1x64xf32, #tpu.memory_space<vmem>>)
        tpu.yield
      }) : () -> ()
      %slice3A_65 = vector.extract_strided_slice %get3A_12 {offsets = [9], sizes = [1], strides = [1]} : vector<16xi32> to vector<1xi32>
      %squeeze3A_66 = vector.extract %slice3A_65[0] : i32 from vector<1xi32>
      %mul3A_67 = arith.constant 16 : i32
      %mul3A_68 = arith.muli %scan3A_8, %mul3A_67 : i32
      %add3A_69 = arith.constant 9 : i32
      %add3A_70 = arith.addi %mul3A_68, %add3A_69 : i32
      "tpu.region"() ({
        %run_scoped3A = tpu.sem_alloc : memref<!tpu.dma_semaphore, #tpu.memory_space<semaphore_mem>>
        %dma_start3A = arith.constant 0 : i32
        %dma_start3A_107 = tpu.memref_slice %arg6[%add3A_70, %dma_start3A] : memref<512x64xf32, #tpu.memory_space<vmem>> -> memref<1x64xf32, #tpu.memory_space<vmem>>
        %dma_start3A_108 = arith.constant 0 : i32
        %dma_start3A_109 = tpu.memref_slice %arg3[%squeeze3A_66, %dma_start3A_108] : memref<1000000x64xf32, #tpu.memory_space<hbm>> -> memref<1x64xf32, #tpu.memory_space<hbm>>
        %dma_start3A_110 = arith.constant 0 : i32
        %dma_start3A_111 = tpu.memref_slice %arg6[%add3A_70, %dma_start3A_110] : memref<512x64xf32, #tpu.memory_space<vmem>> -> memref<1x64xf32, #tpu.memory_space<vmem>>
        %dma_start3A_112 = arith.constant 0 : i32
        %dma_start3A_113 = tpu.memref_slice %arg3[%squeeze3A_66, %dma_start3A_112] : memref<1000000x64xf32, #tpu.memory_space<hbm>> -> memref<1x64xf32, #tpu.memory_space<hbm>>
        tpu.enqueue_dma source(%dma_start3A_113 : memref<1x64xf32, #tpu.memory_space<hbm>>) target(%dma_start3A_111 : memref<1x64xf32, #tpu.memory_space<vmem>>) target_semaphore(%run_scoped3A : memref<!tpu.dma_semaphore, #tpu.memory_space<semaphore_mem>>)
        %dma_wait3A = arith.constant 0 : i32
        %dma_wait3A_114 = tpu.memref_slice %arg6[%add3A_70, %dma_wait3A] : memref<512x64xf32, #tpu.memory_space<vmem>> -> memref<1x64xf32, #tpu.memory_space<vmem>>
        %dma_wait3A_115 = arith.constant 0 : i32
        %dma_wait3A_116 = tpu.memref_slice %arg3[%squeeze3A_66, %dma_wait3A_115] : memref<1000000x64xf32, #tpu.memory_space<hbm>> -> memref<1x64xf32, #tpu.memory_space<hbm>>
        %dma_wait3A_117 = arith.constant 0 : i32
        %dma_wait3A_118 = tpu.memref_slice %arg6[%add3A_70, %dma_wait3A_117] : memref<512x64xf32, #tpu.memory_space<vmem>> -> memref<1x64xf32, #tpu.memory_space<vmem>>
        %dma_wait3A_119 = arith.constant 0 : i32
        %dma_wait3A_120 = tpu.memref_slice %arg3[%squeeze3A_66, %dma_wait3A_119] : memref<1000000x64xf32, #tpu.memory_space<hbm>> -> memref<1x64xf32, #tpu.memory_space<hbm>>
        tpu.wait_dma2 semaphore(%run_scoped3A : memref<!tpu.dma_semaphore, #tpu.memory_space<semaphore_mem>>) src(%dma_wait3A_120 : memref<1x64xf32, #tpu.memory_space<hbm>>) dst(%dma_wait3A_118 : memref<1x64xf32, #tpu.memory_space<vmem>>)
        tpu.yield
      }) : () -> ()
      %slice3A_71 = vector.extract_strided_slice %get3A_12 {offsets = [10], sizes = [1], strides = [1]} : vector<16xi32> to vector<1xi32>
      %squeeze3A_72 = vector.extract %slice3A_71[0] : i32 from vector<1xi32>
      %mul3A_73 = arith.constant 16 : i32
      %mul3A_74 = arith.muli %scan3A_8, %mul3A_73 : i32
      %add3A_75 = arith.constant 10 : i32
      %add3A_76 = arith.addi %mul3A_74, %add3A_75 : i32
      "tpu.region"() ({
        %run_scoped3A = tpu.sem_alloc : memref<!tpu.dma_semaphore, #tpu.memory_space<semaphore_mem>>
        %dma_start3A = arith.constant 0 : i32
        %dma_start3A_107 = tpu.memref_slice %arg6[%add3A_76, %dma_start3A] : memref<512x64xf32, #tpu.memory_space<vmem>> -> memref<1x64xf32, #tpu.memory_space<vmem>>
        %dma_start3A_108 = arith.constant 0 : i32
        %dma_start3A_109 = tpu.memref_slice %arg3[%squeeze3A_72, %dma_start3A_108] : memref<1000000x64xf32, #tpu.memory_space<hbm>> -> memref<1x64xf32, #tpu.memory_space<hbm>>
        %dma_start3A_110 = arith.constant 0 : i32
        %dma_start3A_111 = tpu.memref_slice %arg6[%add3A_76, %dma_start3A_110] : memref<512x64xf32, #tpu.memory_space<vmem>> -> memref<1x64xf32, #tpu.memory_space<vmem>>
        %dma_start3A_112 = arith.constant 0 : i32
        %dma_start3A_113 = tpu.memref_slice %arg3[%squeeze3A_72, %dma_start3A_112] : memref<1000000x64xf32, #tpu.memory_space<hbm>> -> memref<1x64xf32, #tpu.memory_space<hbm>>
        tpu.enqueue_dma source(%dma_start3A_113 : memref<1x64xf32, #tpu.memory_space<hbm>>) target(%dma_start3A_111 : memref<1x64xf32, #tpu.memory_space<vmem>>) target_semaphore(%run_scoped3A : memref<!tpu.dma_semaphore, #tpu.memory_space<semaphore_mem>>)
        %dma_wait3A = arith.constant 0 : i32
        %dma_wait3A_114 = tpu.memref_slice %arg6[%add3A_76, %dma_wait3A] : memref<512x64xf32, #tpu.memory_space<vmem>> -> memref<1x64xf32, #tpu.memory_space<vmem>>
        %dma_wait3A_115 = arith.constant 0 : i32
        %dma_wait3A_116 = tpu.memref_slice %arg3[%squeeze3A_72, %dma_wait3A_115] : memref<1000000x64xf32, #tpu.memory_space<hbm>> -> memref<1x64xf32, #tpu.memory_space<hbm>>
        %dma_wait3A_117 = arith.constant 0 : i32
        %dma_wait3A_118 = tpu.memref_slice %arg6[%add3A_76, %dma_wait3A_117] : memref<512x64xf32, #tpu.memory_space<vmem>> -> memref<1x64xf32, #tpu.memory_space<vmem>>
        %dma_wait3A_119 = arith.constant 0 : i32
        %dma_wait3A_120 = tpu.memref_slice %arg3[%squeeze3A_72, %dma_wait3A_119] : memref<1000000x64xf32, #tpu.memory_space<hbm>> -> memref<1x64xf32, #tpu.memory_space<hbm>>
        tpu.wait_dma2 semaphore(%run_scoped3A : memref<!tpu.dma_semaphore, #tpu.memory_space<semaphore_mem>>) src(%dma_wait3A_120 : memref<1x64xf32, #tpu.memory_space<hbm>>) dst(%dma_wait3A_118 : memref<1x64xf32, #tpu.memory_space<vmem>>)
        tpu.yield
      }) : () -> ()
      %slice3A_77 = vector.extract_strided_slice %get3A_12 {offsets = [11], sizes = [1], strides = [1]} : vector<16xi32> to vector<1xi32>
      %squeeze3A_78 = vector.extract %slice3A_77[0] : i32 from vector<1xi32>
      %mul3A_79 = arith.constant 16 : i32
      %mul3A_80 = arith.muli %scan3A_8, %mul3A_79 : i32
      %add3A_81 = arith.constant 11 : i32
      %add3A_82 = arith.addi %mul3A_80, %add3A_81 : i32
      "tpu.region"() ({
        %run_scoped3A = tpu.sem_alloc : memref<!tpu.dma_semaphore, #tpu.memory_space<semaphore_mem>>
        %dma_start3A = arith.constant 0 : i32
        %dma_start3A_107 = tpu.memref_slice %arg6[%add3A_82, %dma_start3A] : memref<512x64xf32, #tpu.memory_space<vmem>> -> memref<1x64xf32, #tpu.memory_space<vmem>>
        %dma_start3A_108 = arith.constant 0 : i32
        %dma_start3A_109 = tpu.memref_slice %arg3[%squeeze3A_78, %dma_start3A_108] : memref<1000000x64xf32, #tpu.memory_space<hbm>> -> memref<1x64xf32, #tpu.memory_space<hbm>>
        %dma_start3A_110 = arith.constant 0 : i32
        %dma_start3A_111 = tpu.memref_slice %arg6[%add3A_82, %dma_start3A_110] : memref<512x64xf32, #tpu.memory_space<vmem>> -> memref<1x64xf32, #tpu.memory_space<vmem>>
        %dma_start3A_112 = arith.constant 0 : i32
        %dma_start3A_113 = tpu.memref_slice %arg3[%squeeze3A_78, %dma_start3A_112] : memref<1000000x64xf32, #tpu.memory_space<hbm>> -> memref<1x64xf32, #tpu.memory_space<hbm>>
        tpu.enqueue_dma source(%dma_start3A_113 : memref<1x64xf32, #tpu.memory_space<hbm>>) target(%dma_start3A_111 : memref<1x64xf32, #tpu.memory_space<vmem>>) target_semaphore(%run_scoped3A : memref<!tpu.dma_semaphore, #tpu.memory_space<semaphore_mem>>)
        %dma_wait3A = arith.constant 0 : i32
        %dma_wait3A_114 = tpu.memref_slice %arg6[%add3A_82, %dma_wait3A] : memref<512x64xf32, #tpu.memory_space<vmem>> -> memref<1x64xf32, #tpu.memory_space<vmem>>
        %dma_wait3A_115 = arith.constant 0 : i32
        %dma_wait3A_116 = tpu.memref_slice %arg3[%squeeze3A_78, %dma_wait3A_115] : memref<1000000x64xf32, #tpu.memory_space<hbm>> -> memref<1x64xf32, #tpu.memory_space<hbm>>
        %dma_wait3A_117 = arith.constant 0 : i32
        %dma_wait3A_118 = tpu.memref_slice %arg6[%add3A_82, %dma_wait3A_117] : memref<512x64xf32, #tpu.memory_space<vmem>> -> memref<1x64xf32, #tpu.memory_space<vmem>>
        %dma_wait3A_119 = arith.constant 0 : i32
        %dma_wait3A_120 = tpu.memref_slice %arg3[%squeeze3A_78, %dma_wait3A_119] : memref<1000000x64xf32, #tpu.memory_space<hbm>> -> memref<1x64xf32, #tpu.memory_space<hbm>>
        tpu.wait_dma2 semaphore(%run_scoped3A : memref<!tpu.dma_semaphore, #tpu.memory_space<semaphore_mem>>) src(%dma_wait3A_120 : memref<1x64xf32, #tpu.memory_space<hbm>>) dst(%dma_wait3A_118 : memref<1x64xf32, #tpu.memory_space<vmem>>)
        tpu.yield
      }) : () -> ()
      %slice3A_83 = vector.extract_strided_slice %get3A_12 {offsets = [12], sizes = [1], strides = [1]} : vector<16xi32> to vector<1xi32>
      %squeeze3A_84 = vector.extract %slice3A_83[0] : i32 from vector<1xi32>
      %mul3A_85 = arith.constant 16 : i32
      %mul3A_86 = arith.muli %scan3A_8, %mul3A_85 : i32
      %add3A_87 = arith.constant 12 : i32
      %add3A_88 = arith.addi %mul3A_86, %add3A_87 : i32
      "tpu.region"() ({
        %run_scoped3A = tpu.sem_alloc : memref<!tpu.dma_semaphore, #tpu.memory_space<semaphore_mem>>
        %dma_start3A = arith.constant 0 : i32
        %dma_start3A_107 = tpu.memref_slice %arg6[%add3A_88, %dma_start3A] : memref<512x64xf32, #tpu.memory_space<vmem>> -> memref<1x64xf32, #tpu.memory_space<vmem>>
        %dma_start3A_108 = arith.constant 0 : i32
        %dma_start3A_109 = tpu.memref_slice %arg3[%squeeze3A_84, %dma_start3A_108] : memref<1000000x64xf32, #tpu.memory_space<hbm>> -> memref<1x64xf32, #tpu.memory_space<hbm>>
        %dma_start3A_110 = arith.constant 0 : i32
        %dma_start3A_111 = tpu.memref_slice %arg6[%add3A_88, %dma_start3A_110] : memref<512x64xf32, #tpu.memory_space<vmem>> -> memref<1x64xf32, #tpu.memory_space<vmem>>
        %dma_start3A_112 = arith.constant 0 : i32
        %dma_start3A_113 = tpu.memref_slice %arg3[%squeeze3A_84, %dma_start3A_112] : memref<1000000x64xf32, #tpu.memory_space<hbm>> -> memref<1x64xf32, #tpu.memory_space<hbm>>
        tpu.enqueue_dma source(%dma_start3A_113 : memref<1x64xf32, #tpu.memory_space<hbm>>) target(%dma_start3A_111 : memref<1x64xf32, #tpu.memory_space<vmem>>) target_semaphore(%run_scoped3A : memref<!tpu.dma_semaphore, #tpu.memory_space<semaphore_mem>>)
        %dma_wait3A = arith.constant 0 : i32
        %dma_wait3A_114 = tpu.memref_slice %arg6[%add3A_88, %dma_wait3A] : memref<512x64xf32, #tpu.memory_space<vmem>> -> memref<1x64xf32, #tpu.memory_space<vmem>>
        %dma_wait3A_115 = arith.constant 0 : i32
        %dma_wait3A_116 = tpu.memref_slice %arg3[%squeeze3A_84, %dma_wait3A_115] : memref<1000000x64xf32, #tpu.memory_space<hbm>> -> memref<1x64xf32, #tpu.memory_space<hbm>>
        %dma_wait3A_117 = arith.constant 0 : i32
        %dma_wait3A_118 = tpu.memref_slice %arg6[%add3A_88, %dma_wait3A_117] : memref<512x64xf32, #tpu.memory_space<vmem>> -> memref<1x64xf32, #tpu.memory_space<vmem>>
        %dma_wait3A_119 = arith.constant 0 : i32
        %dma_wait3A_120 = tpu.memref_slice %arg3[%squeeze3A_84, %dma_wait3A_119] : memref<1000000x64xf32, #tpu.memory_space<hbm>> -> memref<1x64xf32, #tpu.memory_space<hbm>>
        tpu.wait_dma2 semaphore(%run_scoped3A : memref<!tpu.dma_semaphore, #tpu.memory_space<semaphore_mem>>) src(%dma_wait3A_120 : memref<1x64xf32, #tpu.memory_space<hbm>>) dst(%dma_wait3A_118 : memref<1x64xf32, #tpu.memory_space<vmem>>)
        tpu.yield
      }) : () -> ()
      %slice3A_89 = vector.extract_strided_slice %get3A_12 {offsets = [13], sizes = [1], strides = [1]} : vector<16xi32> to vector<1xi32>
      %squeeze3A_90 = vector.extract %slice3A_89[0] : i32 from vector<1xi32>
      %mul3A_91 = arith.constant 16 : i32
      %mul3A_92 = arith.muli %scan3A_8, %mul3A_91 : i32
      %add3A_93 = arith.constant 13 : i32
      %add3A_94 = arith.addi %mul3A_92, %add3A_93 : i32
      "tpu.region"() ({
        %run_scoped3A = tpu.sem_alloc : memref<!tpu.dma_semaphore, #tpu.memory_space<semaphore_mem>>
        %dma_start3A = arith.constant 0 : i32
        %dma_start3A_107 = tpu.memref_slice %arg6[%add3A_94, %dma_start3A] : memref<512x64xf32, #tpu.memory_space<vmem>> -> memref<1x64xf32, #tpu.memory_space<vmem>>
        %dma_start3A_108 = arith.constant 0 : i32
        %dma_start3A_109 = tpu.memref_slice %arg3[%squeeze3A_90, %dma_start3A_108] : memref<1000000x64xf32, #tpu.memory_space<hbm>> -> memref<1x64xf32, #tpu.memory_space<hbm>>
        %dma_start3A_110 = arith.constant 0 : i32
        %dma_start3A_111 = tpu.memref_slice %arg6[%add3A_94, %dma_start3A_110] : memref<512x64xf32, #tpu.memory_space<vmem>> -> memref<1x64xf32, #tpu.memory_space<vmem>>
        %dma_start3A_112 = arith.constant 0 : i32
        %dma_start3A_113 = tpu.memref_slice %arg3[%squeeze3A_90, %dma_start3A_112] : memref<1000000x64xf32, #tpu.memory_space<hbm>> -> memref<1x64xf32, #tpu.memory_space<hbm>>
        tpu.enqueue_dma source(%dma_start3A_113 : memref<1x64xf32, #tpu.memory_space<hbm>>) target(%dma_start3A_111 : memref<1x64xf32, #tpu.memory_space<vmem>>) target_semaphore(%run_scoped3A : memref<!tpu.dma_semaphore, #tpu.memory_space<semaphore_mem>>)
        %dma_wait3A = arith.constant 0 : i32
        %dma_wait3A_114 = tpu.memref_slice %arg6[%add3A_94, %dma_wait3A] : memref<512x64xf32, #tpu.memory_space<vmem>> -> memref<1x64xf32, #tpu.memory_space<vmem>>
        %dma_wait3A_115 = arith.constant 0 : i32
        %dma_wait3A_116 = tpu.memref_slice %arg3[%squeeze3A_90, %dma_wait3A_115] : memref<1000000x64xf32, #tpu.memory_space<hbm>> -> memref<1x64xf32, #tpu.memory_space<hbm>>
        %dma_wait3A_117 = arith.constant 0 : i32
        %dma_wait3A_118 = tpu.memref_slice %arg6[%add3A_94, %dma_wait3A_117] : memref<512x64xf32, #tpu.memory_space<vmem>> -> memref<1x64xf32, #tpu.memory_space<vmem>>
        %dma_wait3A_119 = arith.constant 0 : i32
        %dma_wait3A_120 = tpu.memref_slice %arg3[%squeeze3A_90, %dma_wait3A_119] : memref<1000000x64xf32, #tpu.memory_space<hbm>> -> memref<1x64xf32, #tpu.memory_space<hbm>>
        tpu.wait_dma2 semaphore(%run_scoped3A : memref<!tpu.dma_semaphore, #tpu.memory_space<semaphore_mem>>) src(%dma_wait3A_120 : memref<1x64xf32, #tpu.memory_space<hbm>>) dst(%dma_wait3A_118 : memref<1x64xf32, #tpu.memory_space<vmem>>)
        tpu.yield
      }) : () -> ()
      %slice3A_95 = vector.extract_strided_slice %get3A_12 {offsets = [14], sizes = [1], strides = [1]} : vector<16xi32> to vector<1xi32>
      %squeeze3A_96 = vector.extract %slice3A_95[0] : i32 from vector<1xi32>
      %mul3A_97 = arith.constant 16 : i32
      %mul3A_98 = arith.muli %scan3A_8, %mul3A_97 : i32
      %add3A_99 = arith.constant 14 : i32
      %add3A_100 = arith.addi %mul3A_98, %add3A_99 : i32
      "tpu.region"() ({
        %run_scoped3A = tpu.sem_alloc : memref<!tpu.dma_semaphore, #tpu.memory_space<semaphore_mem>>
        %dma_start3A = arith.constant 0 : i32
        %dma_start3A_107 = tpu.memref_slice %arg6[%add3A_100, %dma_start3A] : memref<512x64xf32, #tpu.memory_space<vmem>> -> memref<1x64xf32, #tpu.memory_space<vmem>>
        %dma_start3A_108 = arith.constant 0 : i32
        %dma_start3A_109 = tpu.memref_slice %arg3[%squeeze3A_96, %dma_start3A_108] : memref<1000000x64xf32, #tpu.memory_space<hbm>> -> memref<1x64xf32, #tpu.memory_space<hbm>>
        %dma_start3A_110 = arith.constant 0 : i32
        %dma_start3A_111 = tpu.memref_slice %arg6[%add3A_100, %dma_start3A_110] : memref<512x64xf32, #tpu.memory_space<vmem>> -> memref<1x64xf32, #tpu.memory_space<vmem>>
        %dma_start3A_112 = arith.constant 0 : i32
        %dma_start3A_113 = tpu.memref_slice %arg3[%squeeze3A_96, %dma_start3A_112] : memref<1000000x64xf32, #tpu.memory_space<hbm>> -> memref<1x64xf32, #tpu.memory_space<hbm>>
        tpu.enqueue_dma source(%dma_start3A_113 : memref<1x64xf32, #tpu.memory_space<hbm>>) target(%dma_start3A_111 : memref<1x64xf32, #tpu.memory_space<vmem>>) target_semaphore(%run_scoped3A : memref<!tpu.dma_semaphore, #tpu.memory_space<semaphore_mem>>)
        %dma_wait3A = arith.constant 0 : i32
        %dma_wait3A_114 = tpu.memref_slice %arg6[%add3A_100, %dma_wait3A] : memref<512x64xf32, #tpu.memory_space<vmem>> -> memref<1x64xf32, #tpu.memory_space<vmem>>
        %dma_wait3A_115 = arith.constant 0 : i32
        %dma_wait3A_116 = tpu.memref_slice %arg3[%squeeze3A_96, %dma_wait3A_115] : memref<1000000x64xf32, #tpu.memory_space<hbm>> -> memref<1x64xf32, #tpu.memory_space<hbm>>
        %dma_wait3A_117 = arith.constant 0 : i32
        %dma_wait3A_118 = tpu.memref_slice %arg6[%add3A_100, %dma_wait3A_117] : memref<512x64xf32, #tpu.memory_space<vmem>> -> memref<1x64xf32, #tpu.memory_space<vmem>>
        %dma_wait3A_119 = arith.constant 0 : i32
        %dma_wait3A_120 = tpu.memref_slice %arg3[%squeeze3A_96, %dma_wait3A_119] : memref<1000000x64xf32, #tpu.memory_space<hbm>> -> memref<1x64xf32, #tpu.memory_space<hbm>>
        tpu.wait_dma2 semaphore(%run_scoped3A : memref<!tpu.dma_semaphore, #tpu.memory_space<semaphore_mem>>) src(%dma_wait3A_120 : memref<1x64xf32, #tpu.memory_space<hbm>>) dst(%dma_wait3A_118 : memref<1x64xf32, #tpu.memory_space<vmem>>)
        tpu.yield
      }) : () -> ()
      %slice3A_101 = vector.extract_strided_slice %get3A_12 {offsets = [15], sizes = [1], strides = [1]} : vector<16xi32> to vector<1xi32>
      %squeeze3A_102 = vector.extract %slice3A_101[0] : i32 from vector<1xi32>
      %mul3A_103 = arith.constant 16 : i32
      %mul3A_104 = arith.muli %scan3A_8, %mul3A_103 : i32
      %add3A_105 = arith.constant 15 : i32
      %add3A_106 = arith.addi %mul3A_104, %add3A_105 : i32
      "tpu.region"() ({
        %run_scoped3A = tpu.sem_alloc : memref<!tpu.dma_semaphore, #tpu.memory_space<semaphore_mem>>
        %dma_start3A = arith.constant 0 : i32
        %dma_start3A_107 = tpu.memref_slice %arg6[%add3A_106, %dma_start3A] : memref<512x64xf32, #tpu.memory_space<vmem>> -> memref<1x64xf32, #tpu.memory_space<vmem>>
        %dma_start3A_108 = arith.constant 0 : i32
        %dma_start3A_109 = tpu.memref_slice %arg3[%squeeze3A_102, %dma_start3A_108] : memref<1000000x64xf32, #tpu.memory_space<hbm>> -> memref<1x64xf32, #tpu.memory_space<hbm>>
        %dma_start3A_110 = arith.constant 0 : i32
        %dma_start3A_111 = tpu.memref_slice %arg6[%add3A_106, %dma_start3A_110] : memref<512x64xf32, #tpu.memory_space<vmem>> -> memref<1x64xf32, #tpu.memory_space<vmem>>
        %dma_start3A_112 = arith.constant 0 : i32
        %dma_start3A_113 = tpu.memref_slice %arg3[%squeeze3A_102, %dma_start3A_112] : memref<1000000x64xf32, #tpu.memory_space<hbm>> -> memref<1x64xf32, #tpu.memory_space<hbm>>
        tpu.enqueue_dma source(%dma_start3A_113 : memref<1x64xf32, #tpu.memory_space<hbm>>) target(%dma_start3A_111 : memref<1x64xf32, #tpu.memory_space<vmem>>) target_semaphore(%run_scoped3A : memref<!tpu.dma_semaphore, #tpu.memory_space<semaphore_mem>>)
        %dma_wait3A = arith.constant 0 : i32
        %dma_wait3A_114 = tpu.memref_slice %arg6[%add3A_106, %dma_wait3A] : memref<512x64xf32, #tpu.memory_space<vmem>> -> memref<1x64xf32, #tpu.memory_space<vmem>>
        %dma_wait3A_115 = arith.constant 0 : i32
        %dma_wait3A_116 = tpu.memref_slice %arg3[%squeeze3A_102, %dma_wait3A_115] : memref<1000000x64xf32, #tpu.memory_space<hbm>> -> memref<1x64xf32, #tpu.memory_space<hbm>>
        %dma_wait3A_117 = arith.constant 0 : i32
        %dma_wait3A_118 = tpu.memref_slice %arg6[%add3A_106, %dma_wait3A_117] : memref<512x64xf32, #tpu.memory_space<vmem>> -> memref<1x64xf32, #tpu.memory_space<vmem>>
        %dma_wait3A_119 = arith.constant 0 : i32
        %dma_wait3A_120 = tpu.memref_slice %arg3[%squeeze3A_102, %dma_wait3A_119] : memref<1000000x64xf32, #tpu.memory_space<hbm>> -> memref<1x64xf32, #tpu.memory_space<hbm>>
        tpu.wait_dma2 semaphore(%run_scoped3A : memref<!tpu.dma_semaphore, #tpu.memory_space<semaphore_mem>>) src(%dma_wait3A_120 : memref<1x64xf32, #tpu.memory_space<hbm>>) dst(%dma_wait3A_118 : memref<1x64xf32, #tpu.memory_space<vmem>>)
        tpu.yield
      }) : () -> ()
    }
    %scan3A_7 = arith.constant 32 : i32
    "tpu.region"() ({
      %run_scoped3A = tpu.sem_alloc : memref<!tpu.dma_semaphore, #tpu.memory_space<semaphore_mem>>
      %dma_start3A = arith.constant 0 : i32
      %dma_start3A_8 = tpu.memref_slice %arg4[%mul3A_2, %dma_start3A] : memref<16384x64xf32, #tpu.memory_space<hbm>> -> memref<512x64xf32, #tpu.memory_space<hbm>>
      %dma_start3A_9 = arith.constant 0 : i32
      %dma_start3A_10 = tpu.memref_slice %arg4[%mul3A_2, %dma_start3A_9] : memref<16384x64xf32, #tpu.memory_space<hbm>> -> memref<512x64xf32, #tpu.memory_space<hbm>>
      tpu.enqueue_dma source(%arg6 : memref<512x64xf32, #tpu.memory_space<vmem>>) target(%dma_start3A_10 : memref<512x64xf32, #tpu.memory_space<hbm>>) target_semaphore(%run_scoped3A : memref<!tpu.dma_semaphore, #tpu.memory_space<semaphore_mem>>)
      %dma_wait3A = arith.constant 0 : i32
      %dma_wait3A_11 = tpu.memref_slice %arg4[%mul3A_2, %dma_wait3A] : memref<16384x64xf32, #tpu.memory_space<hbm>> -> memref<512x64xf32, #tpu.memory_space<hbm>>
      %dma_wait3A_12 = arith.constant 0 : i32
      %dma_wait3A_13 = tpu.memref_slice %arg4[%mul3A_2, %dma_wait3A_12] : memref<16384x64xf32, #tpu.memory_space<hbm>> -> memref<512x64xf32, #tpu.memory_space<hbm>>
      tpu.wait_dma2 semaphore(%run_scoped3A : memref<!tpu.dma_semaphore, #tpu.memory_space<semaphore_mem>>) src(%arg6 : memref<512x64xf32, #tpu.memory_space<vmem>>) dst(%dma_wait3A_13 : memref<512x64xf32, #tpu.memory_space<hbm>>)
      tpu.yield
    }) : () -> ()
    return
  }
}

</mosaic_0001>

<sc_bundles>
// kernel: kernel.3.cloned.1.call-start
scs
__scs_entry_jumppad:
0x0: {  	(pc) =	sbr.rel $0x88, $3  }
0x1: {  	(tag) =	ssettag $0x0;
	lr =	simm.s32 $0x1  }
0x2: {  	[smem:$0x3F9F] =	sst lr;
	_ =	strace $0xD0000000  }
0x3: {  	_ = 	snop  }
0x4: {  	_ = 	snop  }
0x5: {  	_ = 	snop  }
0x6: {  	_ = 	snop  }
0x7: {  	_ = 	snop  }
__scs_overlays_trampoline_lowered:
0x8: {  	[smem:$0x3FAE] =	sst s0  }
0x9: {  	[smem:$0x3FAF] =	sst s1  }
0xa: {  	[smem:$0x3FB0] =	sst s2  }
0xb: {  	[smem:$0x3FB1] =	sst s3  }
0xc: {  	[smem:$0x3FB2] =	sst s4  }
0xd: {  	[smem:$0x3FB3] =	sst s5  }
0xe: {  	[smem:$0x3FB4] =	sst s6  }
0xf: {  	[smem:$0x3FB5] =	sst s7  }
0x10: {  	[smem:$0x3FB6] =	sst s8  }
0x11: {  	[smem:$0x3FB7] =	sst s9;
	s0 =	simm.s32 @!p0 $0x0  }
0x12: {  	s1 =	sld [smem:$0x3F9D];
	s0 =	simm.s32 @p0 $0x1  }
0x13: {  	[smem:$0x3FB8] =	sst s0;
	s0 =	simm.s32 @!p1 $0x0  }
0x14: {  	s2 =	sld [smem:$0x3F9C];
	s0 =	simm.s32 @p1 $0x1  }
0x15: {  	[smem:$0x3FB9] =	sst s0;
	s0 =	simm.s32 @!p2 $0x0  }
0x16: {  	s3 =	sld [smem:$0x3FDB];
	s0 =	simm.s32 @p2 $0x1  }
0x17: {  	s4 =	simm.s32 $0x1BF5;
	[smem:$0x3FBB] =	sst s0  }
0x18: {  	s0 =	sld [smem:$0x3F9E];
	_ =	swait.ge [sflag:s4], $0x0  }
0x19: {  	s7 =	sld [smem:$0x3F9F]  }
0x1a: {  	s8 =	sadd.s32 $0xFFFFE003, lr  }
0x1b: {  	s9 =	sadd.s32 $0xFFFFFEF7, lr;
	s5 =	simm.s32 $0xFFFFFFFF;
	p2 =	slt.u32 s8, $0xFFFFF086  }
0x1c: {  	p1 =	slt.u32 s9, $0xF7A;
	s5 =	simm.s32 @!p2 $0x0  }
0x1d: {  	s5 =	simm.s32 @p1 $0x1;
	p0 =	seq.s32 s7, s2  }
0x1e: {  	s7 =	smul.u32 @!p0 $0xF7A, s2;
	p2 =	seq.s32 @!p0 s5, $0x0  }
0x1f: {  	s9 =	smul.u32 $0xF7A, s1;
	s8 =	simm.s32 @!p0 $0x1BF5;
	p2 =	por !p2, p0  }
0x20: {  	[sflag:s8] =	ssyncset.s32 @!p0 $0xFFFFF086;
	s6 =	sadd.s32 @!p0 s3, s7;
	s7 =	simm.s32 @!p0 $0x108  }
0x21: {  	s3 =	sadd.s32 s3, s9;
	s6 =	sadd.s32 @!p0 $0x88, s6;
	s7 =	simm.s32 @p2 $0x1082  }
0x22: {  	[simem:s7], [sflag:s8] =	dma.local @!p0 [hbm:s6], $0xF7A  }
0x23: {  	s9 =	sor.u32 $0xD0000000, s2;
	s6 =	simm.s32 $0x108;
	_ =	swait.ge @!p0 [sflag:s8], $0x0  }
0x24: {  	s3 =	sadd.s32 $0x88, s3;
	s6 =	simm.s32 @!p1 $0x1082;
	[sflag:s4] =	ssyncset.s32 $0xFFFFF086  }
0x25: {  	[simem:s6], [sflag:s4] =	dma.local [hbm:s3], $0xF7A  }
0x26: {  	[smem:$0x3F9F] =	sst s1;
	(tag) =	ssettag s2;
	_ =	strace s9  }
0x27: {  	s1 =	sld [smem:$0x3FAF]  }
0x28: {  	s2 =	sld [smem:$0x3FB0]  }
0x29: {  	s4 =	sld [smem:$0x3FB2]  }
0x2a: {  	p0 =	seq.s32 s5, $0x0;
	s5 =	sld [smem:$0x3FB3]  }
0x2b: {  	s6 =	sld [smem:$0x3FB4]  }
0x2c: {  	s7 =	sld [smem:$0x3FB5]  }
0x2d: {  	s3 =	simm.s32 $0x108;
	s8 =	sld [smem:$0x3FB6]  }
0x2e: {  	s3 =	simm.s32 @!p0 $0x1082;
	s9 =	sld [smem:$0x3FB7]  }
0x2f: {  	lr =	sadd.s32 s0, s3;
	s0 =	sld [smem:$0x3FAE]  }
0x30: {  	s3 =	sld [smem:$0x3FB1]  }
0x31: {  	[smem:$0x3FBA] =	sst s10  }
0x32: {  	s10 =	sld [smem:$0x3FB8];
	_ =	sdelay $0x3  }
0x33: {  	p0 =	seq.s32 s10, $0x1;
	s10 =	sld [smem:$0x3FBA];
	_ =	sdelay $0x3  }
0x34: {  	[smem:$0x3FBA] =	sst s10  }
0x35: {  	s10 =	sld [smem:$0x3FB9];
	_ =	sdelay $0x3  }
0x36: {  	p1 =	seq.s32 s10, $0x1;
	s10 =	sld [smem:$0x3FBA];
	_ =	sdelay $0x3  }
0x37: {  	[smem:$0x3FBA] =	sst s10  }
0x38: {  	s10 =	sld [smem:$0x3FBB]  }
0x39: {  	_ = 	snop;
	(pc) =	sbr.ind lr, $3  }
0x3a: {  	_ = 	snop  }
0x3b: {  	_ = 	snop  }
0x3c: {  	p2 =	seq.s32 s10, $0x1;
	s10 =	sld [smem:$0x3FBA]  }
0x3d: {  	_ =	shalt  }
0x3e: {  	_ =	shalt  }
0x3f: {  	_ =	shalt  }
0x40: {  	_ =	shalt  }
0x41: {  	_ =	shalt  }
0x42: {  	_ =	shalt  }
0x43: {  	_ =	shalt  }
0x44: {  	_ =	shalt  }
0x45: {  	_ =	shalt  }
0x46: {  	_ =	shalt  }
0x47: {  	_ =	shalt  }
0x48: {  	_ =	shalt  }
0x49: {  	_ =	shalt  }
0x4a: {  	_ =	shalt  }
0x4b: {  	_ =	shalt  }
0x4c: {  	_ =	shalt  }
0x4d: {  	_ =	shalt  }
0x4e: {  	_ =	shalt  }
0x4f: {  	_ =	shalt  }
0x50: {  	_ =	shalt  }
0x51: {  	_ =	shalt  }
0x52: {  	_ =	shalt  }
0x53: {  	_ =	shalt  }
0x54: {  	_ =	shalt  }
0x55: {  	_ =	shalt  }
0x56: {  	_ =	shalt  }
0x57: {  	_ =	shalt  }
0x58: {  	_ =	shalt  }
0x59: {  	_ =	shalt  }
0x5a: {  	_ =	shalt  }
0x5b: {  	_ =	shalt  }
0x5c: {  	_ =	shalt  }
0x5d: {  	_ =	shalt  }
0x5e: {  	_ =	shalt  }
0x5f: {  	_ =	shalt  }
0x60: {  	_ =	shalt  }
0x61: {  	_ =	shalt  }
0x62: {  	_ =	shalt  }
0x63: {  	_ =	shalt  }
0x64: {  	_ =	shalt  }
0x65: {  	_ =	shalt  }
0x66: {  	_ =	shalt  }
0x67: {  	_ =	shalt  }
0x68: {  	_ =	shalt  }
0x69: {  	_ =	shalt  }
0x6a: {  	_ =	shalt  }
0x6b: {  	_ =	shalt  }
0x6c: {  	_ =	shalt  }
0x6d: {  	_ =	shalt  }
0x6e: {  	_ =	shalt  }
0x6f: {  	_ =	shalt  }
0x70: {  	_ =	shalt  }
0x71: {  	_ =	shalt  }
0x72: {  	_ =	shalt  }
0x73: {  	_ =	shalt  }
0x74: {  	_ =	shalt  }
0x75: {  	_ =	shalt  }
0x76: {  	_ =	shalt  }
0x77: {  	_ =	shalt  }
0x78: {  	_ =	shalt  }
0x79: {  	_ =	shalt  }
0x7a: {  	_ =	shalt  }
0x7b: {  	_ =	shalt  }
0x7c: {  	_ =	shalt  }
0x7d: {  	_ =	shalt  }
0x7e: {  	_ =	shalt  }
0x7f: {  	_ =	shalt  }
0x80: {  	_ =	shalt  }
0x81: {  	_ =	shalt  }
0x82: {  	_ =	shalt  }
0x83: {  	_ =	shalt  }
0x84: {  	_ =	shalt  }
0x85: {  	_ =	shalt  }
0x86: {  	_ =	shalt  }
0x87: {  	_ =	shalt  }
.Lfunc_end0:
.L_simem_size_0:
called_computation_lowered:
.L_overlay_start_0:
0x88: {  	s2 =	sld [smem:$0x3FD9]  }
0x89: {  	s3 =	sld [smem:$0x3FFE];
	_ =	sdelay $0x1  }
0x8a: {  	s1 =	srdreg.scid  }
0x8b: {  	s0 =	sand.u32 $0x1, s1  }
0x8c: {  	s17 =	sshll.u32 s0, $0xA;
	s2 =	sadd.s32 s3, s2  }
0x8d: {  	s2 =	sadd.s32 s2, s17  }
0x8e: {  	[smem:$0x3FC6] =	sst s2  }
0x8f: {  	_ = 	snop  }
0x90: {  	s2 =	sld [smem:$0x3FC9];
	(tm) =	ssettm $0x1  }
0x91: {  	s18 =	sld [smem:$0x3FFB];
	_ =	sdelay $0x3  }
0x92: {  	_ =	strace s18  }
0x93: {  	s3 =	sld [smem:$0x3FFC];
	_ =	sdelay $0x3  }
0x94: {  	_ =	strace s3  }
0x95: {  	s3 =	sld [smem:$0x3FFD];
	_ =	sdelay $0x3  }
0x96: {  	_ =	strace s3  }
0x97: {  	_ =	strace $0x8FFFFFFF  }
0x98: {  	s19 =	sld [smem:$0x3FDB];
	_ =	sdelay $0x1  }
0x99: {  	s4 =	simm.s32 $_scs_section_size  }
0x9a: {  	s5 =	simm.s32 $_size__tile_overlayer_lowered;
	s6 =	simm.s32 $_tile_overlayer_lowered  }
0x9b: {  	s22 =	simm.s32 $0x1BFF;
	s21 =	sshll.u32 s6, $0x1;
	s3 =	sadd.s32 s4, s19  }
0x9c: {  	s7 =	simm.s32 $0x0;
	s20 =	sshll.u32 s5, $0x1;
	s5 =	sadd.s32 s21, s3  }
0x9d: {  	[timem:s7], [sflag:s22] =	dma.local [hbm:s5], s20  }
0x9e: {  	_ =	swait.ge [sflag:s22], s20  }
0x9f: {  	s4 =	ssub.s32 $0x0, s20;
	[sflag:s22] =	ssyncset.done $0x0  }
0xa0: {  	[sflag:s22] =	ssyncadd.s32 s4;
	_ =	sdelay $0x1  }
0xa1: {  	s23 =	simm.s32 $0x1B8B  }
0xa2: {  	_ =	swait.ge [sflag:s23], $0x1  }
0xa3: {  	[sflag:s23] =	ssyncset.done $0x0  }
0xa4: {  	s25 =	simm.s32 $0x1B8E;
	s24 =	sld [smem:$0x3FFE];
	[sflag:s23] =	ssyncadd.s32 $0xFFFFFFFF  }
0xa5: {  	s26 =	simm.s32 $execute0_lowered;
	[smem:$0x3FD2] =	sst s25  }
0xa6: {  	s5 =	sshll.u32 s26, $0x1;
	_ =	strace $0x80000046;
	[dreg:$0x1] =	wrdreg $0xFFFFFFFF  }
0xa7: {  	s28 =	simm.s32 $_size_execute0_lowered;
	s3 =	sadd.s32 s3, s5;
	[dreg:$0x0] =	wrdreg $0x0  }
0xa8: {  	s5 =	sshll.u32 s28, $0x1;
	[dreg:$0x2] =	wrdreg s3  }
0xa9: {  	[dreg:$0x3] =	wrdreg s5  }
0xaa: {  	[dreg:$0x4] =	wrdreg $0xC0  }
0xab: {  	_ =	task [dreg:s7], $0x5FFFF  }
0xac: {  	[dreg:$0x1] =	wrdreg $0xFFFFFFFF  }
0xad: {  	[dreg:$0x0] =	wrdreg $0x60  }
0xae: {  	[dreg:$0x2] =	wrdreg s2  }
0xaf: {  	[dreg:$0x3] =	wrdreg s24  }
0xb0: {  	[dreg:$0x4] =	wrdreg $0x9  }
0xb1: {  	_ =	task.clear_ibuf [dreg:s7], $0x5FFFF;
	_ =	strace $0x90000046  }
0xb2: {  	s29 =	simm.s32 $0x9;
	_ =	strace $0x80000048  }
0xb3: {  	_ =	swait.ge [sflag:s29], $0x1  }
0xb4: {  	[sflag:s29] =	ssyncadd.s32 $0xFFFFFFFF  }
0xb5: {  	_ =	strace $0x90000048  }
0xb6: {  	_ =	sfence  }
0xb7: {  	s30 =	sld [smem:$0x0];
	_ =	sdelay $0x2  }
0xb8: {  	s31 =	sshll.u32 s1, $0xD;
	s1 =	sshrl.u32 s1, $0x2  }
0xb9: {  	s3 =	sand.u32 $0x4000, s31;
	s1 =	sadd.s32 s1, s30  }
0xba: {  	s0 =	sor.u32 s3, s0;
	s1 =	sshll.u32 s1, $0x11  }
0xbb: {  	s0 =	sor.u32 s1, s0  }
0xbc: {  	s0 =	sadd.s32 $0x8F2B, s0  }
0xbd: {  	[sflag:s0] =	ssyncadd.remote.s32 $0x1  }
0xbe: {  	_ =	sfence.sel $0xFFFF  }
0xbf: {  	[dreg:$0x0] =	wrdreg $0xFFFFFFFF;
	(pc) =	sbr.abs _section_cstart, $3  }
0xc0: {  	[dreg:$0x1] =	wrdreg $0xFFFFFFFF  }
0xc1: {  	_ =	task.clear_ibuf [dreg:s7], $0x2FFFF;
	_ =	strace $0x9FFFFFFF  }
0xc2: {  	(tm) =	ssettm $0x7FFFFFFF  }
0xc3: {  	_ =	shalt  }
tec
execute0_lowered:
.L_overlay_start_1:
0x0: {  	(tag) =	ssettag $0x1  }
0x1: {  	s4 =	rddreg [dreg:$0x0]  }
0x2: {  	s5 =	rddreg [dreg:$0x1]  }
0x3: {  	s0 =	rddreg [dreg:$0x2];
	s3 =	srdreg.scid  }
0x4: {  	s2 =	simm.s32 $0x0;
	s1 =	stileid.u32;
	s3 =	sand.u32 $0x1, s3  }
0x5: {  	[smem:$0x7FF] =	sst s2;
	s6 =	sshll.u32 s1, $0xA;
	s7 =	sshll.u32 s3, $0x9  }
0x6: {  	_ =	strace $0x80000047;
	s31 =	ssub.s32 $0x2, s3;
	s6 =	sor.u32 s7, s6  }
0x7: {  	s3 =	sadd.s32 $0x400, s5;
	s9 =	sshrl.u32 s31, $0x1;
	s8 =	sshll.u32 s6, $0x4  }
0x8: {  	s7 =	ssub.s32 s31, s9;
	s6 =	sshrl.u32 s6, $0x3;
	s9 =	simm.s32 $0x0  }
0x9: {  	s5 =	sadd.s32 s8, s5;
	s4 =	sadd.s32 s4, s6;
	s6 =	smax.u32 s7, $0x1  }
0xa: {  	s7 =	simm.s32 $0x1;
	s8 =	simm.s32 $0x200;
	s5 =	sadd.s32 $0xF42800, s5  }
.LBB2_1:
0xb: {  	[tilespmem:s2], [sflag:$0x1] =	stream.linear.gather [hbm4b:s4+s2], $0x200, $0x38;
	[tilespmem:$0x10200] =	vst v63  }
0xc: {  	_ =	swait.ge [sflag:s7], $0x200  }
0xd: {  	[sflag:s7] =	ssyncset.done $0x0  }
0xe: {  	[sflag:s7] =	ssyncadd.s32 $0xFFFFFE00  }
0xf: {  	v0 =	vld [tilespmem:s2+$0x0];
	_ =	sdelay $0x4  }
0x10: {  	v0 =	vshll.u32 v0, $0x4  }
0x11: {  	(v2sf) =	vpush v0, $0x0  }
0x12: {  	(v2sf) =	vpush v0, $0x1  }
0x13: {  	(v2sf) =	vpush v0, $0x2  }
0x14: {  	(v2sf) =	vpush v0, $0x3;
	_ =	sdelay $0x2  }
0x15: {  	(v2sf) =	vpush v0, $0x4  }
0x16: {  	(v2sf) =	vpush v0, $0x5;
	_ =	sdelay $0x3  }
0x17: {  	(v2sf) =	vpush v0, $0x6;
	_ =	sdelay $0x2  }
0x18: {  	(v2sf) =	vpush v0, $0x7  }
0x19: {  	s10 =	spop (v2sf);
	(v2sf) =	vpush v0, $0x8  }
0x1a: {  	s11 =	spop (v2sf)  }
0x1b: {  	s10 =	sand.u32 $0x1FFFFFF0, s10;
	s12 =	spop (v2sf)  }
0x1c: {  	s13 =	simm.s32 $0x200;
	(v2sf) =	vpush v0, $0x9;
	s10 =	sadd.s32 s3, s10;
	s14 =	spop (v2sf)  }
0x1d: {  	(v2sf) =	vpush v0, $0xA;
	[tilespmem:s13], [sflag:$0x1] =	stream.linear.gather [hbm4b:s10+s2], $0x80, $0x38;
	[tilespmem:$0x10200] =	vst v63  }
0x1e: {  	s24 =	simm.s32 $0x280;
	_ =	swait.ge [sflag:s7], $0x80  }
0x1f: {  	s23 =	sand.u32 $0x1FFFFFF0, s11;
	s25 =	spop (v2sf);
	[sflag:s7] =	ssyncset.done $0x0  }
0x20: {  	s10 =	sadd.s32 s3, s23;
	(v2sf) =	vpush v0, $0xB;
	[sflag:s7] =	ssyncadd.s32 $0xFFFFFF80;
	s15 =	spop (v2sf)  }
0x21: {  	(v2sf) =	vpush v0, $0xC;
	[tilespmem:s24], [sflag:$0x1] =	stream.linear.gather [hbm4b:s10+s2], $0x80, $0x38;
	[tilespmem:$0x10200] =	vst v63  }
0x22: {  	_ =	swait.ge [sflag:s7], $0x80  }
0x23: {  	s28 =	simm.s32 $0x300;
	s26 =	sand.u32 $0x1FFFFFF0, s12;
	[sflag:s7] =	ssyncset.done $0x0  }
0x24: {  	s10 =	sadd.s32 s3, s26;
	(v2sf) =	vpush v0, $0xD;
	s29 =	spop (v2sf);
	[sflag:s7] =	ssyncadd.s32 $0xFFFFFF80  }
0x25: {  	(v2sf) =	vpush v0, $0xE;
	[tilespmem:s28], [sflag:$0x1] =	stream.linear.gather [hbm4b:s10+s2], $0x80, $0x38;
	[tilespmem:$0x10200] =	vst v63  }
0x26: {  	s18 =	simm.s32 $0x380;
	_ =	swait.ge [sflag:s7], $0x80  }
0x27: {  	s30 =	sand.u32 $0x1FFFFFF0, s14;
	s31 =	spop (v2sf);
	[sflag:s7] =	ssyncset.done $0x0  }
0x28: {  	s10 =	sadd.s32 s3, s30;
	[sflag:s7] =	ssyncadd.s32 $0xFFFFFF80;
	s16 =	spop (v2sf)  }
0x29: {  	(v2sf) =	vpush v0, $0xF;
	[tilespmem:s18], [sflag:$0x1] =	stream.linear.gather [hbm4b:s10+s2], $0x80, $0x38;
	[tilespmem:$0x10200] =	vst v63  }
0x2a: {  	s20 =	simm.s32 $0x400;
	_ =	swait.ge [sflag:s7], $0x80  }
0x2b: {  	s19 =	sand.u32 $0x1FFFFFF0, s25;
	s13 =	spop (v2sf);
	[sflag:s7] =	ssyncset.done $0x0  }
0x2c: {  	s10 =	sadd.s32 s3, s19;
	[sflag:s7] =	ssyncadd.s32 $0xFFFFFF80;
	s17 =	spop (v2sf)  }
0x2d: {  	[tilespmem:s20], [sflag:$0x1] =	stream.linear.gather [hbm4b:s10+s2], $0x80, $0x38;
	[tilespmem:$0x10200] =	vst v63  }
0x2e: {  	s23 =	simm.s32 $0x480;
	_ =	swait.ge [sflag:s7], $0x80  }
0x2f: {  	s21 =	sand.u32 $0x1FFFFFF0, s15;
	s22 =	spop (v2sf);
	[sflag:s7] =	ssyncset.done $0x0  }
0x30: {  	s10 =	sadd.s32 s3, s21;
	[sflag:s7] =	ssyncadd.s32 $0xFFFFFF80;
	s18 =	spop (v2sf)  }
0x31: {  	[tilespmem:s23], [sflag:$0x1] =	stream.linear.gather [hbm4b:s10+s2], $0x80, $0x38;
	[tilespmem:$0x10200] =	vst v63  }
0x32: {  	s26 =	simm.s32 $0x500;
	_ =	swait.ge [sflag:s7], $0x80  }
0x33: {  	s24 =	sand.u32 $0x1FFFFFF0, s29;
	s25 =	spop (v2sf);
	[sflag:s7] =	ssyncset.done $0x0  }
0x34: {  	s10 =	sadd.s32 s3, s24;
	[sflag:s7] =	ssyncadd.s32 $0xFFFFFF80;
	s19 =	spop (v2sf)  }
0x35: {  	[tilespmem:s26], [sflag:$0x1] =	stream.linear.gather [hbm4b:s10+s2], $0x80, $0x38;
	[tilespmem:$0x10200] =	vst v63  }
0x36: {  	_ =	swait.ge [sflag:s7], $0x80  }
0x37: {  	s29 =	simm.s32 $0x580;
	s28 =	sand.u32 $0x1FFFFFF0, s31;
	[sflag:s7] =	ssyncset.done $0x0  }
0x38: {  	s10 =	sadd.s32 s3, s28;
	s11 =	spop (v2sf);
	[sflag:s7] =	ssyncadd.s32 $0xFFFFFF80  }
0x39: {  	[tilespmem:s29], [sflag:$0x1] =	stream.linear.gather [hbm4b:s10+s2], $0x80, $0x38;
	[tilespmem:$0x10200] =	vst v63  }
0x3a: {  	_ =	swait.ge [sflag:s7], $0x80  }
0x3b: {  	s30 =	sand.u32 $0x1FFFFFF0, s16;
	[sflag:s7] =	ssyncset.done $0x0  }
0x3c: {  	s31 =	simm.s32 $0x600;
	s10 =	sadd.s32 s3, s30;
	[sflag:s7] =	ssyncadd.s32 $0xFFFFFF80  }
0x3d: {  	[tilespmem:s31], [sflag:$0x1] =	stream.linear.gather [hbm4b:s10+s2], $0x80, $0x38;
	[tilespmem:$0x10200] =	vst v63  }
0x3e: {  	_ =	swait.ge [sflag:s7], $0x80  }
0x3f: {  	s15 =	sand.u32 $0x1FFFFFF0, s13;
	[sflag:s7] =	ssyncset.done $0x0  }
0x40: {  	s16 =	simm.s32 $0x680;
	s10 =	sadd.s32 s3, s15;
	[sflag:s7] =	ssyncadd.s32 $0xFFFFFF80  }
0x41: {  	[tilespmem:s16], [sflag:$0x1] =	stream.linear.gather [hbm4b:s10+s2], $0x80, $0x38;
	[tilespmem:$0x10200] =	vst v63  }
0x42: {  	_ =	swait.ge [sflag:s7], $0x80  }
0x43: {  	s17 =	sand.u32 $0x1FFFFFF0, s17;
	[sflag:s7] =	ssyncset.done $0x0  }
0x44: {  	s20 =	simm.s32 $0x700;
	s10 =	sadd.s32 s3, s17;
	[sflag:s7] =	ssyncadd.s32 $0xFFFFFF80  }
0x45: {  	[tilespmem:s20], [sflag:$0x1] =	stream.linear.gather [hbm4b:s10+s2], $0x80, $0x38;
	[tilespmem:$0x10200] =	vst v63  }
0x46: {  	_ =	swait.ge [sflag:s7], $0x80  }
0x47: {  	s21 =	sand.u32 $0x1FFFFFF0, s22;
	[sflag:s7] =	ssyncset.done $0x0  }
0x48: {  	s22 =	simm.s32 $0x780;
	s10 =	sadd.s32 s3, s21;
	[sflag:s7] =	ssyncadd.s32 $0xFFFFFF80  }
0x49: {  	[tilespmem:s22], [sflag:$0x1] =	stream.linear.gather [hbm4b:s10+s2], $0x80, $0x38;
	[tilespmem:$0x10200] =	vst v63  }
0x4a: {  	_ =	swait.ge [sflag:s7], $0x80  }
0x4b: {  	s23 =	sand.u32 $0x1FFFFFF0, s18;
	[sflag:s7] =	ssyncset.done $0x0  }
0x4c: {  	s24 =	simm.s32 $0x800;
	s10 =	sadd.s32 s3, s23;
	[sflag:s7] =	ssyncadd.s32 $0xFFFFFF80  }
0x4d: {  	[tilespmem:s24], [sflag:$0x1] =	stream.linear.gather [hbm4b:s10+s2], $0x80, $0x38;
	[tilespmem:$0x10200] =	vst v63  }
0x4e: {  	_ =	swait.ge [sflag:s7], $0x80  }
0x4f: {  	s25 =	sand.u32 $0x1FFFFFF0, s25;
	[sflag:s7] =	ssyncset.done $0x0  }
0x50: {  	s26 =	simm.s32 $0x880;
	s10 =	sadd.s32 s3, s25;
	[sflag:s7] =	ssyncadd.s32 $0xFFFFFF80  }
0x51: {  	[tilespmem:s26], [sflag:$0x1] =	stream.linear.gather [hbm4b:s10+s2], $0x80, $0x38;
	[tilespmem:$0x10200] =	vst v63  }
0x52: {  	_ =	swait.ge [sflag:s7], $0x80  }
0x53: {  	s28 =	sand.u32 $0x1FFFFFF0, s19;
	[sflag:s7] =	ssyncset.done $0x0  }
0x54: {  	s29 =	simm.s32 $0x900;
	s10 =	sadd.s32 s3, s28;
	[sflag:s7] =	ssyncadd.s32 $0xFFFFFF80  }
0x55: {  	[tilespmem:s29], [sflag:$0x1] =	stream.linear.gather [hbm4b:s10+s2], $0x80, $0x38;
	[tilespmem:$0x10200] =	vst v63  }
0x56: {  	_ =	swait.ge [sflag:s7], $0x80  }
0x57: {  	s30 =	sand.u32 $0x1FFFFFF0, s11;
	[sflag:s7] =	ssyncset.done $0x0  }
0x58: {  	s31 =	simm.s32 $0x980;
	s10 =	sadd.s32 s3, s30;
	[sflag:s7] =	ssyncadd.s32 $0xFFFFFF80  }
0x59: {  	[tilespmem:s31], [sflag:$0x1] =	stream.linear.gather [hbm4b:s10+s2], $0x80, $0x38;
	[tilespmem:$0x10200] =	vst v63  }
0x5a: {  	s11 =	simm.s32 $0x0;
	s10 =	simm.s32 $0x2000;
	_ =	swait.ge [sflag:s7], $0x80  }
.LBB2_2:
0x5b: {  	p0 =	sne.s32 s10, $0x3E000;
	[sflag:s7] =	ssyncset.done $0x0;
	s11 =	sadd.s32 $0x10, s11  }
0x5c: {  	s12 =	smov.u32 s10;
	s10 =	sadd.s32 $0x2000, s10;
	[sflag:s7] =	ssyncadd.s32 $0xFFFFFF80  }
0x5d: {  	v0 =	vld [tilespmem:s11+$0x0];
	_ =	sdelay $0x4  }
0x5e: {  	v0 =	vshll.u32 v0, $0x4  }
0x5f: {  	(v2sf) =	vpush v0, $0x0  }
0x60: {  	(v2sf) =	vpush v0, $0x1  }
0x61: {  	(v2sf) =	vpush v0, $0x2  }
0x62: {  	(v2sf) =	vpush v0, $0x3;
	_ =	sdelay $0x1  }
0x63: {  	(v2sf) =	vpush v0, $0x4;
	_ =	sdelay $0x1  }
0x64: {  	(v2sf) =	vpush v0, $0x5;
	_ =	sdelay $0x3  }
0x65: {  	(v2sf) =	vpush v0, $0x6;
	_ =	sdelay $0x1  }
0x66: {  	(v2sf) =	vpush v0, $0x7;
	_ =	sdelay $0x1  }
0x67: {  	s13 =	spop (v2sf);
	(v2sf) =	vpush v0, $0x8  }
0x68: {  	s12 =	sshra.s32 s12, $0x2;
	s13 =	sand.u32 $0x1FFFFFF0, s13;
	s14 =	spop (v2sf)  }
0x69: {  	s13 =	sadd.s32 s3, s13;
	s14 =	sand.u32 $0x1FFFFFF0, s14;
	s15 =	spop (v2sf);
	(v2sf) =	vpush v0, $0x9  }
0x6a: {  	s16 =	sadd.s32 $0x200, s12;
	s17 =	sadd.s32 $0x280, s12;
	s18 =	spop (v2sf)  }
0x6b: {  	[tilespmem:s16], [sflag:$0x1] =	stream.linear.gather [hbm4b:s13+s2], $0x80, $0x38;
	(v2sf) =	vpush v0, $0xA;
	[tilespmem:$0x10200] =	vst v63  }
0x6c: {  	_ =	swait.ge [sflag:s7], $0x80  }
0x6d: {  	s13 =	sand.u32 $0x1FFFFFF0, s18;
	s16 =	spop (v2sf)  }
0x6e: {  	s14 =	sadd.s32 s3, s14;
	[sflag:s7] =	ssyncset.done $0x0;
	s16 =	sand.u32 $0x1FFFFFF0, s16;
	(v2sf) =	vpush v0, $0xB  }
0x6f: {  	[sflag:s7] =	ssyncadd.s32 $0xFFFFFF80;
	s18 =	spop (v2sf)  }
0x70: {  	[tilespmem:s17], [sflag:$0x1] =	stream.linear.gather [hbm4b:s14+s2], $0x80, $0x38;
	(v2sf) =	vpush v0, $0xC;
	[tilespmem:$0x10200] =	vst v63  }
0x71: {  	s14 =	sand.u32 $0x1FFFFFF0, s15;
	s15 =	sand.u32 $0x1FFFFFF0, s18;
	_ =	swait.ge [sflag:s7], $0x80  }
0x72: {  	s17 =	sadd.s32 $0x300, s12;
	s14 =	sadd.s32 s3, s14;
	[sflag:s7] =	ssyncset.done $0x0;
	(v2sf) =	vpush v0, $0xD  }
0x73: {  	[sflag:s7] =	ssyncadd.s32 $0xFFFFFF80;
	s18 =	spop (v2sf)  }
0x74: {  	[tilespmem:s17], [sflag:$0x1] =	stream.linear.gather [hbm4b:s14+s2], $0x80, $0x38;
	(v2sf) =	vpush v0, $0xE;
	[tilespmem:$0x10200] =	vst v63  }
0x75: {  	_ =	swait.ge [sflag:s7], $0x80  }
0x76: {  	s14 =	sand.u32 $0x1FFFFFF0, s18;
	s17 =	spop (v2sf)  }
0x77: {  	s13 =	sadd.s32 s3, s13;
	s18 =	sadd.s32 $0x380, s12;
	[sflag:s7] =	ssyncset.done $0x0;
	(v2sf) =	vpush v0, $0xF  }
0x78: {  	s19 =	sand.u32 $0x1FFFFFF0, s17;
	[sflag:s7] =	ssyncadd.s32 $0xFFFFFF80;
	s17 =	spop (v2sf)  }
0x79: {  	[tilespmem:s18], [sflag:$0x1] =	stream.linear.gather [hbm4b:s13+s2], $0x80, $0x38;
	[tilespmem:$0x10200] =	vst v63  }
0x7a: {  	_ =	swait.ge [sflag:s7], $0x80  }
0x7b: {  	s20 =	sand.u32 $0x1FFFFFF0, s17;
	s13 =	spop (v2sf)  }
0x7c: {  	s16 =	sadd.s32 s3, s16;
	s17 =	sadd.s32 $0x400, s12;
	[sflag:s7] =	ssyncset.done $0x0  }
0x7d: {  	s21 =	sand.u32 $0x1FFFFFF0, s13;
	[sflag:s7] =	ssyncadd.s32 $0xFFFFFF80;
	s13 =	spop (v2sf)  }
0x7e: {  	[tilespmem:s17], [sflag:$0x1] =	stream.linear.gather [hbm4b:s16+s2], $0x80, $0x38;
	[tilespmem:$0x10200] =	vst v63  }
0x7f: {  	_ =	swait.ge [sflag:s7], $0x80  }
0x80: {  	s18 =	sand.u32 $0x1FFFFFF0, s13;
	s13 =	spop (v2sf)  }
0x81: {  	s15 =	sadd.s32 s3, s15;
	s16 =	sadd.s32 $0x480, s12;
	[sflag:s7] =	ssyncset.done $0x0  }
0x82: {  	s17 =	sand.u32 $0x1FFFFFF0, s13;
	[sflag:s7] =	ssyncadd.s32 $0xFFFFFF80;
	s13 =	spop (v2sf)  }
0x83: {  	[tilespmem:s16], [sflag:$0x1] =	stream.linear.gather [hbm4b:s15+s2], $0x80, $0x38;
	[tilespmem:$0x10200] =	vst v63  }
0x84: {  	_ =	swait.ge [sflag:s7], $0x80  }
0x85: {  	s16 =	sand.u32 $0x1FFFFFF0, s13;
	s13 =	spop (v2sf)  }
0x86: {  	s22 =	sadd.s32 $0x500, s12;
	s14 =	sadd.s32 s3, s14;
	[sflag:s7] =	ssyncset.done $0x0  }
0x87: {  	s15 =	sand.u32 $0x1FFFFFF0, s13;
	[sflag:s7] =	ssyncadd.s32 $0xFFFFFF80;
	s13 =	spop (v2sf)  }
0x88: {  	[tilespmem:s22], [sflag:$0x1] =	stream.linear.gather [hbm4b:s14+s2], $0x80, $0x38;
	[tilespmem:$0x10200] =	vst v63  }
0x89: {  	_ =	swait.ge [sflag:s7], $0x80  }
0x8a: {  	s14 =	sand.u32 $0x1FFFFFF0, s13;
	s13 =	spop (v2sf)  }
0x8b: {  	s19 =	sadd.s32 s3, s19;
	s22 =	sadd.s32 $0x580, s12;
	[sflag:s7] =	ssyncset.done $0x0  }
0x8c: {  	s13 =	sand.u32 $0x1FFFFFF0, s13;
	[sflag:s7] =	ssyncadd.s32 $0xFFFFFF80  }
0x8d: {  	[tilespmem:s22], [sflag:$0x1] =	stream.linear.gather [hbm4b:s19+s2], $0x80, $0x38;
	[tilespmem:$0x10200] =	vst v63  }
0x8e: {  	_ =	swait.ge [sflag:s7], $0x80  }
0x8f: {  	s20 =	sadd.s32 s3, s20;
	s19 =	sadd.s32 $0x600, s12;
	[sflag:s7] =	ssyncset.done $0x0  }
0x90: {  	[sflag:s7] =	ssyncadd.s32 $0xFFFFFF80  }
0x91: {  	[tilespmem:s19], [sflag:$0x1] =	stream.linear.gather [hbm4b:s20+s2], $0x80, $0x38;
	[tilespmem:$0x10200] =	vst v63  }
0x92: {  	_ =	swait.ge [sflag:s7], $0x80  }
0x93: {  	s19 =	sadd.s32 $0x680, s12;
	s20 =	sadd.s32 s3, s21;
	[sflag:s7] =	ssyncset.done $0x0  }
0x94: {  	[sflag:s7] =	ssyncadd.s32 $0xFFFFFF80  }
0x95: {  	[tilespmem:s19], [sflag:$0x1] =	stream.linear.gather [hbm4b:s20+s2], $0x80, $0x38;
	[tilespmem:$0x10200] =	vst v63  }
0x96: {  	_ =	swait.ge [sflag:s7], $0x80  }
0x97: {  	s18 =	sadd.s32 s3, s18;
	s19 =	sadd.s32 $0x700, s12;
	[sflag:s7] =	ssyncset.done $0x0  }
0x98: {  	[sflag:s7] =	ssyncadd.s32 $0xFFFFFF80  }
0x99: {  	[tilespmem:s19], [sflag:$0x1] =	stream.linear.gather [hbm4b:s18+s2], $0x80, $0x38;
	[tilespmem:$0x10200] =	vst v63  }
0x9a: {  	_ =	swait.ge [sflag:s7], $0x80  }
0x9b: {  	s17 =	sadd.s32 s3, s17;
	s18 =	sadd.s32 $0x780, s12;
	[sflag:s7] =	ssyncset.done $0x0  }
0x9c: {  	[sflag:s7] =	ssyncadd.s32 $0xFFFFFF80  }
0x9d: {  	[tilespmem:s18], [sflag:$0x1] =	stream.linear.gather [hbm4b:s17+s2], $0x80, $0x38;
	[tilespmem:$0x10200] =	vst v63  }
0x9e: {  	_ =	swait.ge [sflag:s7], $0x80  }
0x9f: {  	s16 =	sadd.s32 s3, s16;
	s17 =	sadd.s32 $0x800, s12;
	[sflag:s7] =	ssyncset.done $0x0  }
0xa0: {  	[sflag:s7] =	ssyncadd.s32 $0xFFFFFF80  }
0xa1: {  	[tilespmem:s17], [sflag:$0x1] =	stream.linear.gather [hbm4b:s16+s2], $0x80, $0x38;
	[tilespmem:$0x10200] =	vst v63  }
0xa2: {  	_ =	swait.ge [sflag:s7], $0x80  }
0xa3: {  	s15 =	sadd.s32 s3, s15;
	s16 =	sadd.s32 $0x880, s12;
	[sflag:s7] =	ssyncset.done $0x0  }
0xa4: {  	[sflag:s7] =	ssyncadd.s32 $0xFFFFFF80  }
0xa5: {  	[tilespmem:s16], [sflag:$0x1] =	stream.linear.gather [hbm4b:s15+s2], $0x80, $0x38;
	[tilespmem:$0x10200] =	vst v63  }
0xa6: {  	_ =	swait.ge [sflag:s7], $0x80  }
0xa7: {  	s14 =	sadd.s32 s3, s14;
	s15 =	sadd.s32 $0x900, s12;
	[sflag:s7] =	ssyncset.done $0x0  }
0xa8: {  	[sflag:s7] =	ssyncadd.s32 $0xFFFFFF80  }
0xa9: {  	[tilespmem:s15], [sflag:$0x1] =	stream.linear.gather [hbm4b:s14+s2], $0x80, $0x38;
	[tilespmem:$0x10200] =	vst v63  }
.Ltmp0:
0xaa: {  	_ =	swait.ge [sflag:s7], $0x80;
	(pc) =	sbr.rel @p0 .LBB2_2-.Ltmp0, $4  }
0xab: {  	s13 =	sadd.s32 s3, s13;
	s12 =	sadd.s32 $0x980, s12;
	[sflag:s7] =	ssyncset.done $0x0  }
0xac: {  	[sflag:s7] =	ssyncadd.s32 $0xFFFFFF80  }
0xad: {  	[tilespmem:s12], [sflag:$0x1] =	stream.linear.gather [hbm4b:s13+s2], $0x80, $0x38;
	[tilespmem:$0x10200] =	vst v63  }
0xae: {  	_ =	swait.ge [sflag:s7], $0x80  }
0xaf: {  	s9 =	sadd.s32 $0x1, s9  }
0xb0: {  	[sflag:s7] =	ssyncset.done $0x0;
	p0 =	sne.s32 s9, s6  }
.Ltmp1:
0xb1: {  	[sflag:s7] =	ssyncadd.s32 $0xFFFFFF80;
	(pc) =	sbr.rel @p0 .LBB2_1-.Ltmp1, $4  }
0xb2: {  	[hbm4b:s5+s2] =	stream.linear.scatter [tilespmem:s8], [sflag:$0x1], $0x10000, $0x38;
	[tilespmem:$0x10200] =	vst v63  }
0xb3: {  	_ =	swait.ge [sflag:s7], $0x10000  }
0xb4: {  	[sflag:s7] =	ssyncset.done $0x0  }
0xb5: {  	[sflag:s7] =	ssyncadd.s32 $0xFFFF0000  }
0xb6: {  	_ =	sfence.sel $0x180000  }
0xb7: {  	[bflag:$0x0] =	sbarrier.arrive $0xFFFF  }
0xb8: {  	p0 =	sne.s32 s1, $0x0;
	_ =	strace $0x90000047  }
0xb9: {  	s0 =	sadd.s32 @!p0 $0x100000, s0;
	[bflag:$0x2] =	sbarrier.arrive $0xFFFF  }
0xba: {  	[sflag:s0] =	ssyncadd.tile.s32 @!p0 $0x1;
	_ =	shalt  }
.Lfunc_end2:
_tile_overlayer_lowered:
.L_overlay_start_2:
0xbb: {  	(tag) =	ssettag $0x2  }
0xbc: {  	s0 =	rddreg [dreg:$0x0];
	s2 =	stileid.u32  }
0xbd: {  	s1 =	rddreg [dreg:$0x1];
	p0 =	sne.s32 s2, $0x0  }
0xbe: {  	s3 =	rddreg [dreg:$0x2];
	[bflag:$0x3] =	sbarrier.arrive $0xFFFF;
	s2 =	simm.s32 @!p0 $0x1C01  }
0xbf: {  	[timem:s3], [sflag:s2] =	dma.local @!p0 [hbm:s0], s1  }
0xc0: {  	s0 =	simm.s32 @!p0 $0x1  }
0xc1: {  	_ =	swait.ge @!p0 [sflag:s0], s1  }
0xc2: {  	s1 =	ssub.s32 @!p0 $0x0, s1;
	[sflag:s0] =	ssyncset.done @!p0 $0x0  }
0xc3: {  	[sflag:s0] =	ssyncadd.s32 @!p0 s1  }
0xc4: {  	[bflag:$0x3] =	sbarrier.arrive $0xFFFF  }
0xc5: {  	_ =	shalt  }

</sc_bundles>
